<compile_context>
chip_gen: v7x
topology: tpu7x:2x2x1
jax: 0.10.2.dev20260603
libtpu: 0.0.44.dev20260713+nightly
codegen_flags: <defaults>
</compile_context>

<pallas_src>
import functools

import jax
import jax.numpy as jnp
from jax import lax
from jax.experimental import pallas as pl
from jax.experimental.pallas import tpu as pltpu
from jax.experimental.pallas import tpu_sc as plsc

B = 16
N = 32768
D = 1280
H = 128

ROWS = 2048
N_SC = 10240
N_TC = N - N_SC
TC_BLK0 = N_SC // ROWS
NBLK = N_TC // ROWS
IDS_R = ROWS // 128

NW = 32
RPW = N_SC // NW
C = 32
NCHUNK = RPW // C
LANES = 16
NCOL = D // LANES


def _sc_body(x_hbm, ids_hbm, sums_hbm, cnt_hbm,
             ids_v, acc_v, cnt_v, buf0, buf1, sem0, sem1):
    wid = lax.axis_index("s") * 2 + lax.axis_index("c")
    base = wid * RPW

    pltpu.async_copy(x_hbm.at[pl.ds(base, C)], buf0, sem0)
    pltpu.async_copy(x_hbm.at[pl.ds(base + C, C)], buf1, sem1)

    pltpu.sync_copy(ids_hbm.at[pl.ds(base, RPW)], ids_v.at[pl.ds(0, RPW)])

    iota16 = lax.iota(jnp.int32, LANES)
    zeros16 = jnp.zeros((LANES,), jnp.float32)

    @plsc.parallel_loop(0, NCOL, unroll=1)
    def _zbody(i):
        col = i * LANES
        for s in range(B):
            acc_v[s, pl.ds(col, LANES)] = zeros16
    cnt_v[...] = zeros16

    def treesum(vals):
        while len(vals) > 1:
            nxt = [vals[i] + vals[i + 1] for i in range(0, len(vals) - 1, 2)]
            if len(vals) % 2:
                nxt.append(vals[-1])
            vals = nxt
        return vals[0]

    bufs = (buf0, buf1)
    sems = (sem0, sem1)

    def process(buf, off):
        v0 = ids_v[pl.ds(off, LANES)]
        v1 = ids_v[pl.ds(off + LANES, LANES)]
        s0 = v0[0]
        s_splat = jnp.broadcast_to(s0, (LANES,))
        uniform = jnp.all((v0 == s_splat) & (v1 == s_splat))

        def hot():
            @plsc.parallel_loop(0, NCOL, unroll=1)
            def _jbody(j):
                col = j * LANES
                colsum = treesum(
                    [buf[r, pl.ds(col, LANES)] for r in range(C)])
                plsc.addupdate(acc_v.at[s0, pl.ds(col, LANES)], colsum)
            cnt_v[...] += jnp.where(iota16 == s_splat, float(C), 0.0)

        def cold():
            def rbody(r, _):
                s = ids_v[pl.ds(off + r, LANES)][0]

                @plsc.parallel_loop(0, NCOL, unroll=1)
                def _jbody(j):
                    col = j * LANES
                    plsc.addupdate(acc_v.at[s, pl.ds(col, LANES)],
                                   buf[r, pl.ds(col, LANES)])
                cnt_v[...] += jnp.where(
                    iota16 == jnp.broadcast_to(s, (LANES,)), 1.0, 0.0)
                return 0
            lax.fori_loop(0, C, rbody, 0)

        lax.cond(uniform, hot, cold)

    def pair_body(k2, _):
        for b in range(2):
            k = k2 * 2 + b
            pltpu.make_async_copy(
                x_hbm.at[pl.ds(base + k * C, C)], bufs[b], sems[b]).wait()
            process(bufs[b], k * C)

            @pl.when(k + 2 < NCHUNK)
            def _next():
                pltpu.async_copy(
                    x_hbm.at[pl.ds(base + (k + 2) * C, C)], bufs[b], sems[b])
        return 0
    lax.fori_loop(0, NCHUNK // 2, pair_body, 0)

    pltpu.sync_copy(acc_v, sums_hbm.at[pl.ds(wid * B, B)])
    pltpu.sync_copy(cnt_v, cnt_hbm.at[wid])


def _sc_partials(prot_x, ids32):
    mesh = plsc.VectorSubcoreMesh(core_axis_name="c", subcore_axis_name="s")
    f = pl.kernel(
        _sc_body,
        mesh=mesh,
        compiler_params=pltpu.CompilerParams(needs_layout_passes=False,
                                             skip_device_barrier=True),
        out_type=[
            jax.ShapeDtypeStruct((NW * B, D), jnp.float32),
            jax.ShapeDtypeStruct((NW, LANES), jnp.float32),
        ],
        scratch_types=[
            pltpu.VMEM((RPW + LANES,), jnp.int32),
            pltpu.VMEM((B, D), jnp.float32),
            pltpu.VMEM((LANES,), jnp.float32),
            pltpu.VMEM((C, D), jnp.float32),
            pltpu.VMEM((C, D), jnp.float32),
            pltpu.SemaphoreType.DMA,
            pltpu.SemaphoreType.DMA,
        ],
    )
    return f(prot_x, ids32)


def _tc_seg_kernel(x_ref, ids_ref, sum_ref, cnt_ref):
    i = pl.program_id(0)

    @pl.when(i == 0)
    def _init():
        sum_ref[...] = jnp.zeros_like(sum_ref)
        cnt_ref[...] = jnp.zeros_like(cnt_ref)

    seg = ids_ref[...].reshape(1, ROWS)
    bidx = lax.broadcasted_iota(jnp.int32, (B, ROWS), 0)
    onehot = (bidx == seg).astype(jnp.float32)
    sum_ref[...] += jnp.dot(onehot, x_ref[...],
                            preferred_element_type=jnp.float32)
    cnt_ref[...] += jnp.sum(onehot, axis=1, keepdims=True)


def _tc_partials(prot_x, ids2d):
    return pl.pallas_call(
        _tc_seg_kernel,
        grid=(NBLK,),
        in_specs=[
            pl.BlockSpec((ROWS, D), lambda i: (i + TC_BLK0, 0)),
            pl.BlockSpec((IDS_R, 128), lambda i: (i + TC_BLK0, 0)),
        ],
        out_specs=[
            pl.BlockSpec((B, D), lambda i: (0, 0)),
            pl.BlockSpec((B, 1), lambda i: (0, 0)),
        ],
        out_shape=[
            jax.ShapeDtypeStruct((B, D), jnp.float32),
            jax.ShapeDtypeStruct((B, 1), jnp.float32),
        ],
    )(prot_x, ids2d)


def _head_kernel(scs_ref, scc_ref, tcs_ref, tcc_ref, mol_ref,
                 wp_ref, bp_ref, wf_ref, bf_ref, out_ref, pgf_ref):
    total = tcs_ref[...]
    for k in range(NW):
        total = total + scs_ref[k * B:(k + 1) * B, :]
    cnt_row = jnp.sum(scc_ref[...], axis=0, keepdims=True)
    eye = (lax.broadcasted_iota(jnp.int32, (B, B), 0)
           == lax.broadcasted_iota(jnp.int32, (B, B), 1)).astype(jnp.float32)
    cnt_col = jnp.sum(eye * cnt_row, axis=1, keepdims=True)
    cnt_col = cnt_col + tcc_ref[...]
    mean = total / jnp.maximum(cnt_col, 1.0)
    nonempty = (cnt_col > 0.0).astype(jnp.float32)
    pgf = (jnp.dot(mean, wp_ref[...], preferred_element_type=jnp.float32)
           + bp_ref[...] * nonempty)
    pgf_ref[...] = pgf
    w_mol = wf_ref[:, :H]
    w_pgf = wf_ref[:, H:]
    out_ref[...] = (jnp.sum(mol_ref[...] * w_mol, axis=1, keepdims=True)
                    + jnp.sum(pgf * w_pgf, axis=1, keepdims=True)
                    + bf_ref[0, 0])


@jax.jit
def _run(prot_x, mol_feat, ids32, ids2d, W_prot, b_prot2d, W_ffn_t, b_ffn2d):
    sc_sums, sc_cnts = _sc_partials(prot_x, ids32)
    tc_sums, tc_cnts = _tc_partials(prot_x, ids2d)
    out, pgf = pl.pallas_call(
        _head_kernel,
        out_shape=[
            jax.ShapeDtypeStruct((B, 1), jnp.float32),
            jax.ShapeDtypeStruct((B, H), jnp.float32),
        ],
    )(sc_sums, sc_cnts, tc_sums, tc_cnts, mol_feat,
      W_prot, b_prot2d, W_ffn_t, b_ffn2d)
    return out, pgf


def kernel(prot_x, mol_feat, segment_ids, W_prot, b_prot, W_ffn, b_ffn):
    ids32 = segment_ids.astype(jnp.int32)
    out, pgf = _run(prot_x, mol_feat, ids32, ids32.reshape(N // 128, 128),
                    W_prot, b_prot.reshape(1, H),
                    W_ffn.reshape(1, 2 * H).astype(jnp.float32),
                    b_ffn.reshape(1, 1))
    return (out, mol_feat, pgf)

# --- scband reference (transcript-rebuilt; emitter-appended) ---
"""Pipeline reference for scband-kano-esm-60481729462326 (READ-ONLY COPY).

The authoritative reference and input builder live on the scoring server;
editing this copy changes nothing except your own understanding.
"""

import jax, jax.numpy as jnp
import numpy as np

B = 16          # number of proteins / molecules in batch (batch_prot graphs)
N = 32768       # total protein residue nodes across the batch (RAGGED)
D_PROT = 1280   # ESM embedding dim
H = 128         # args.hidden_size


def setup_inputs(seed: int = 0) -> dict:
    key = jax.random.key(seed)
    ks = jax.random.split(key, 8)
    prot_x = jax.random.normal(ks[0], (N, D_PROT), dtype=jnp.float32)
    # mol_feat stands in for the CMPNN molecule-encoder output (external dependency)
    mol_feat = jax.random.normal(ks[1], (B, H), dtype=jnp.float32)
    # segment ids encode batch_prot.ptr boundaries (sorted, values in [0, B))
    segment_ids = jnp.sort(jax.random.randint(ks[2], (N,), 0, B, dtype=jnp.int64))
    # protein_encoder = nn.Linear(1280, hidden_size)
    W_prot = jax.random.normal(ks[3], (D_PROT, H), dtype=jnp.float32) * 0.02
    b_prot = jnp.zeros((H,), dtype=jnp.float32)
    # ffn on concat([mol_feat, prot_graph_feat]) -> hidden_size*2 input
    W_ffn = jax.random.normal(ks[4], (2 * H, 1), dtype=jnp.float32) * 0.02
    b_ffn = jnp.zeros((1,), dtype=jnp.float32)
    return {
        'prot_x': prot_x,
        'mol_feat': mol_feat,
        'segment_ids': segment_ids,
        'W_prot': W_prot,
        'b_prot': b_prot,
        'W_ffn': W_ffn,
        'b_ffn': b_ffn,
    }


def reference(prot_x, mol_feat, segment_ids, W_prot, b_prot, W_ffn, b_ffn):
    # prot_node_feat = self.protein_encoder(prot_x)
    prot_node_feat = prot_x @ W_prot + b_prot
    # per-protein mean pooling: torch.stack([torch.mean(prot, dim=0) for prot in split-by-ptr])
    seg_sum = jax.ops.segment_sum(prot_node_feat, segment_ids, num_segments=B)
    seg_cnt = jax.ops.segment_sum(jnp.ones((prot_x.shape[0],), dtype=jnp.float32), segment_ids, num_segments=B)
    prot_graph_feat = seg_sum / jnp.maximum(seg_cnt, 1.0)[:, None]
    # cpi_feat = torch.concat([mol_feat, prot_graph_feat], dim=1)
    cpi_feat = jnp.concatenate([mol_feat, prot_graph_feat], axis=1)
    # output = self.molecule_encoder.ffn(cpi_feat)
    output = cpi_feat @ W_ffn + b_ffn
    return (output, mol_feat, prot_graph_feat)

if __name__ == "__main__":
    import jax
    _d = setup_inputs()
    print(jax.jit(kernel)(*tuple(_d.values())))

</pallas_src>

<mosaic_0001>
#map = affine_map<(d0, d1) -> (0, 0)>
#map1 = affine_map<(d0, d1) -> (0)>
module attributes {stable_mosaic.version = 14 : i64} {
  func.func @_sc_body(%arg0: i32, %arg1: i32, %arg2: memref<32768x1280xf32, #tpu.memory_space<hbm>>, %arg3: memref<32768xi32, #tpu.memory_space<hbm>>, %arg4: memref<512x1280xf32, #tpu.memory_space<hbm>>, %arg5: memref<32x16xf32, #tpu.memory_space<hbm>>, %arg6: memref<336xi32, #tpu.memory_space<vmem>>, %arg7: memref<16x1280xf32, #tpu.memory_space<vmem>>, %arg8: memref<16xf32, #tpu.memory_space<vmem>>, %arg9: memref<32x1280xf32, #tpu.memory_space<vmem>>, %arg10: memref<32x1280xf32, #tpu.memory_space<vmem>>, %arg11: memref<!tpu.dma_semaphore, #tpu.memory_space<semaphore_mem>>, %arg12: memref<!tpu.dma_semaphore, #tpu.memory_space<semaphore_mem>>) attributes {dimension_semantics = [#tpu.dimension_semantics<core_parallel>, #tpu.dimension_semantics<subcore_parallel>], iteration_bounds = array<i64: 2, 16>, scalar_prefetch = 0 : i64, scratch_operands = 7 : i64, tpu.core_type = #tpu.core_type<sc_vector_subcore>, window_params = [{transform_indices = #map}, {transform_indices = #map1}, {transform_indices = #map}, {transform_indices = #map}]} {
    %mul3A = arith.constant 2 : i32
    %mul3A_0 = arith.muli %arg1, %mul3A : i32
    %add3A = arith.addi %mul3A_0, %arg0 : i32
    %mul3A_1 = arith.constant 320 : i32
    %mul3A_2 = arith.muli %add3A, %mul3A_1 : i32
    %dma_start3A = arith.constant 0 : i32
    %dma_start3A_3 = tpu.memref_slice %arg2[%mul3A_2, %dma_start3A] : memref<32768x1280xf32, #tpu.memory_space<hbm>> -> memref<32x1280xf32, #tpu.memory_space<hbm>>
    %dma_start3A_4 = arith.constant 0 : i32
    %dma_start3A_5 = tpu.memref_slice %arg2[%mul3A_2, %dma_start3A_4] : memref<32768x1280xf32, #tpu.memory_space<hbm>> -> memref<32x1280xf32, #tpu.memory_space<hbm>>
    tpu.enqueue_dma source(%dma_start3A_5 : memref<32x1280xf32, #tpu.memory_space<hbm>>) target(%arg9 : memref<32x1280xf32, #tpu.memory_space<vmem>>) target_semaphore(%arg11 : memref<!tpu.dma_semaphore, #tpu.memory_space<semaphore_mem>>)
    %add3A_6 = arith.constant 32 : i32
    %add3A_7 = arith.addi %mul3A_2, %add3A_6 : i32
    %dma_start3A_8 = arith.constant 0 : i32
    %dma_start3A_9 = tpu.memref_slice %arg2[%add3A_7, %dma_start3A_8] : memref<32768x1280xf32, #tpu.memory_space<hbm>> -> memref<32x1280xf32, #tpu.memory_space<hbm>>
    %dma_start3A_10 = arith.constant 0 : i32
    %dma_start3A_11 = tpu.memref_slice %arg2[%add3A_7, %dma_start3A_10] : memref<32768x1280xf32, #tpu.memory_space<hbm>> -> memref<32x1280xf32, #tpu.memory_space<hbm>>
    tpu.enqueue_dma source(%dma_start3A_11 : memref<32x1280xf32, #tpu.memory_space<hbm>>) target(%arg10 : memref<32x1280xf32, #tpu.memory_space<vmem>>) target_semaphore(%arg12 : memref<!tpu.dma_semaphore, #tpu.memory_space<semaphore_mem>>)
    "tpu.region"() ({
      %run_scoped3A = tpu.sem_alloc : memref<!tpu.dma_semaphore, #tpu.memory_space<semaphore_mem>>
      %dma_start3A_24 = arith.constant 0 : i32
      %dma_start3A_25 = tpu.memref_slice %arg6[%dma_start3A_24] : memref<336xi32, #tpu.memory_space<vmem>> -> memref<320xi32, #tpu.memory_space<vmem>>
      %dma_start3A_26 = tpu.memref_slice %arg3[%mul3A_2] : memref<32768xi32, #tpu.memory_space<hbm>> -> memref<320xi32, #tpu.memory_space<hbm>>
      %dma_start3A_27 = arith.constant 0 : i32
      %dma_start3A_28 = tpu.memref_slice %arg6[%dma_start3A_27] : memref<336xi32, #tpu.memory_space<vmem>> -> memref<320xi32, #tpu.memory_space<vmem>>
      %dma_start3A_29 = tpu.memref_slice %arg3[%mul3A_2] : memref<32768xi32, #tpu.memory_space<hbm>> -> memref<320xi32, #tpu.memory_space<hbm>>
      tpu.enqueue_dma source(%dma_start3A_29 : memref<320xi32, #tpu.memory_space<hbm>>) target(%dma_start3A_28 : memref<320xi32, #tpu.memory_space<vmem>>) target_semaphore(%run_scoped3A : memref<!tpu.dma_semaphore, #tpu.memory_space<semaphore_mem>>)
      %dma_wait3A = arith.constant 0 : i32
      %dma_wait3A_30 = tpu.memref_slice %arg6[%dma_wait3A] : memref<336xi32, #tpu.memory_space<vmem>> -> memref<320xi32, #tpu.memory_space<vmem>>
      %dma_wait3A_31 = tpu.memref_slice %arg3[%mul3A_2] : memref<32768xi32, #tpu.memory_space<hbm>> -> memref<320xi32, #tpu.memory_space<hbm>>
      %dma_wait3A_32 = arith.constant 0 : i32
      %dma_wait3A_33 = tpu.memref_slice %arg6[%dma_wait3A_32] : memref<336xi32, #tpu.memory_space<vmem>> -> memref<320xi32, #tpu.memory_space<vmem>>
      %dma_wait3A_34 = tpu.memref_slice %arg3[%mul3A_2] : memref<32768xi32, #tpu.memory_space<hbm>> -> memref<320xi32, #tpu.memory_space<hbm>>
      tpu.wait_dma2 semaphore(%run_scoped3A : memref<!tpu.dma_semaphore, #tpu.memory_space<semaphore_mem>>) src(%dma_wait3A_34 : memref<320xi32, #tpu.memory_space<hbm>>) dst(%dma_wait3A_33 : memref<320xi32, #tpu.memory_space<vmem>>)
      tpu.yield
    }) : () -> ()
    %iota3A = tpu.iota {dimensions = array<i32: 0>} : vector<16xi32>
    %broadcast_in_dim3A = arith.constant 0.000000e+00 : f32
    %broadcast_in_dim3A_12 = vector.broadcast %broadcast_in_dim3A : f32 to vector<16xf32>
    %parallel_loop3A = arith.constant 0 : i32
    %parallel_loop3A_13 = arith.constant 80 : i32
    %parallel_loop3A_14 = arith.constant 1 : i32
    scf.for %parallel_loop3A_24 = %parallel_loop3A to %parallel_loop3A_13 step %parallel_loop3A_14  : i32 {
      %parallel_loop3A_25 = arith.constant 16 : i32
      %parallel_loop3A_26 = arith.muli %parallel_loop3A_24, %parallel_loop3A_25 : i32
      %parallel_loop3A_27 = arith.constant 0 : i32
      %parallel_loop3A_28 = arith.index_cast %parallel_loop3A_27 : i32 to index
      %parallel_loop3A_29 = arith.index_cast %parallel_loop3A_26 : i32 to index
      %parallel_loop3A_30 = tpu.vector_load %arg7[%parallel_loop3A_28, %parallel_loop3A_29] {strides = array<i32>} : memref<16x1280xf32, #tpu.memory_space<vmem>>, vector<16xf32>,
      tpu.vector_store %arg7[%parallel_loop3A_28, %parallel_loop3A_29], %broadcast_in_dim3A_12 {strides = array<i32>} : memref<16x1280xf32, #tpu.memory_space<vmem>>, vector<16xf32>,
      %parallel_loop3A_31 = arith.constant 1 : i32
      %parallel_loop3A_32 = arith.index_cast %parallel_loop3A_31 : i32 to index
      %parallel_loop3A_33 = arith.index_cast %parallel_loop3A_26 : i32 to index
      %parallel_loop3A_34 = tpu.vector_load %arg7[%parallel_loop3A_32, %parallel_loop3A_33] {strides = array<i32>} : memref<16x1280xf32, #tpu.memory_space<vmem>>, vector<16xf32>,
      tpu.vector_store %arg7[%parallel_loop3A_32, %parallel_loop3A_33], %broadcast_in_dim3A_12 {strides = array<i32>} : memref<16x1280xf32, #tpu.memory_space<vmem>>, vector<16xf32>,
      %parallel_loop3A_35 = arith.constant 2 : i32
      %parallel_loop3A_36 = arith.index_cast %parallel_loop3A_35 : i32 to index
      %parallel_loop3A_37 = arith.index_cast %parallel_loop3A_26 : i32 to index
      %parallel_loop3A_38 = tpu.vector_load %arg7[%parallel_loop3A_36, %parallel_loop3A_37] {strides = array<i32>} : memref<16x1280xf32, #tpu.memory_space<vmem>>, vector<16xf32>,
      tpu.vector_store %arg7[%parallel_loop3A_36, %parallel_loop3A_37], %broadcast_in_dim3A_12 {strides = array<i32>} : memref<16x1280xf32, #tpu.memory_space<vmem>>, vector<16xf32>,
      %parallel_loop3A_39 = arith.constant 3 : i32
      %parallel_loop3A_40 = arith.index_cast %parallel_loop3A_39 : i32 to index
      %parallel_loop3A_41 = arith.index_cast %parallel_loop3A_26 : i32 to index
      %parallel_loop3A_42 = tpu.vector_load %arg7[%parallel_loop3A_40, %parallel_loop3A_41] {strides = array<i32>} : memref<16x1280xf32, #tpu.memory_space<vmem>>, vector<16xf32>,
      tpu.vector_store %arg7[%parallel_loop3A_40, %parallel_loop3A_41], %broadcast_in_dim3A_12 {strides = array<i32>} : memref<16x1280xf32, #tpu.memory_space<vmem>>, vector<16xf32>,
      %parallel_loop3A_43 = arith.constant 4 : i32
      %parallel_loop3A_44 = arith.index_cast %parallel_loop3A_43 : i32 to index
      %parallel_loop3A_45 = arith.index_cast %parallel_loop3A_26 : i32 to index
      %parallel_loop3A_46 = tpu.vector_load %arg7[%parallel_loop3A_44, %parallel_loop3A_45] {strides = array<i32>} : memref<16x1280xf32, #tpu.memory_space<vmem>>, vector<16xf32>,
      tpu.vector_store %arg7[%parallel_loop3A_44, %parallel_loop3A_45], %broadcast_in_dim3A_12 {strides = array<i32>} : memref<16x1280xf32, #tpu.memory_space<vmem>>, vector<16xf32>,
      %parallel_loop3A_47 = arith.constant 5 : i32
      %parallel_loop3A_48 = arith.index_cast %parallel_loop3A_47 : i32 to index
      %parallel_loop3A_49 = arith.index_cast %parallel_loop3A_26 : i32 to index
      %parallel_loop3A_50 = tpu.vector_load %arg7[%parallel_loop3A_48, %parallel_loop3A_49] {strides = array<i32>} : memref<16x1280xf32, #tpu.memory_space<vmem>>, vector<16xf32>,
      tpu.vector_store %arg7[%parallel_loop3A_48, %parallel_loop3A_49], %broadcast_in_dim3A_12 {strides = array<i32>} : memref<16x1280xf32, #tpu.memory_space<vmem>>, vector<16xf32>,
      %parallel_loop3A_51 = arith.constant 6 : i32
      %parallel_loop3A_52 = arith.index_cast %parallel_loop3A_51 : i32 to index
      %parallel_loop3A_53 = arith.index_cast %parallel_loop3A_26 : i32 to index
      %parallel_loop3A_54 = tpu.vector_load %arg7[%parallel_loop3A_52, %parallel_loop3A_53] {strides = array<i32>} : memref<16x1280xf32, #tpu.memory_space<vmem>>, vector<16xf32>,
      tpu.vector_store %arg7[%parallel_loop3A_52, %parallel_loop3A_53], %broadcast_in_dim3A_12 {strides = array<i32>} : memref<16x1280xf32, #tpu.memory_space<vmem>>, vector<16xf32>,
      %parallel_loop3A_55 = arith.constant 7 : i32
      %parallel_loop3A_56 = arith.index_cast %parallel_loop3A_55 : i32 to index
      %parallel_loop3A_57 = arith.index_cast %parallel_loop3A_26 : i32 to index
      %parallel_loop3A_58 = tpu.vector_load %arg7[%parallel_loop3A_56, %parallel_loop3A_57] {strides = array<i32>} : memref<16x1280xf32, #tpu.memory_space<vmem>>, vector<16xf32>,
      tpu.vector_store %arg7[%parallel_loop3A_56, %parallel_loop3A_57], %broadcast_in_dim3A_12 {strides = array<i32>} : memref<16x1280xf32, #tpu.memory_space<vmem>>, vector<16xf32>,
      %parallel_loop3A_59 = arith.constant 8 : i32
      %parallel_loop3A_60 = arith.index_cast %parallel_loop3A_59 : i32 to index
      %parallel_loop3A_61 = arith.index_cast %parallel_loop3A_26 : i32 to index
      %parallel_loop3A_62 = tpu.vector_load %arg7[%parallel_loop3A_60, %parallel_loop3A_61] {strides = array<i32>} : memref<16x1280xf32, #tpu.memory_space<vmem>>, vector<16xf32>,
      tpu.vector_store %arg7[%parallel_loop3A_60, %parallel_loop3A_61], %broadcast_in_dim3A_12 {strides = array<i32>} : memref<16x1280xf32, #tpu.memory_space<vmem>>, vector<16xf32>,
      %parallel_loop3A_63 = arith.constant 9 : i32
      %parallel_loop3A_64 = arith.index_cast %parallel_loop3A_63 : i32 to index
      %parallel_loop3A_65 = arith.index_cast %parallel_loop3A_26 : i32 to index
      %parallel_loop3A_66 = tpu.vector_load %arg7[%parallel_loop3A_64, %parallel_loop3A_65] {strides = array<i32>} : memref<16x1280xf32, #tpu.memory_space<vmem>>, vector<16xf32>,
      tpu.vector_store %arg7[%parallel_loop3A_64, %parallel_loop3A_65], %broadcast_in_dim3A_12 {strides = array<i32>} : memref<16x1280xf32, #tpu.memory_space<vmem>>, vector<16xf32>,
      %parallel_loop3A_67 = arith.constant 10 : i32
      %parallel_loop3A_68 = arith.index_cast %parallel_loop3A_67 : i32 to index
      %parallel_loop3A_69 = arith.index_cast %parallel_loop3A_26 : i32 to index
      %parallel_loop3A_70 = tpu.vector_load %arg7[%parallel_loop3A_68, %parallel_loop3A_69] {strides = array<i32>} : memref<16x1280xf32, #tpu.memory_space<vmem>>, vector<16xf32>,
      tpu.vector_store %arg7[%parallel_loop3A_68, %parallel_loop3A_69], %broadcast_in_dim3A_12 {strides = array<i32>} : memref<16x1280xf32, #tpu.memory_space<vmem>>, vector<16xf32>,
      %parallel_loop3A_71 = arith.constant 11 : i32
      %parallel_loop3A_72 = arith.index_cast %parallel_loop3A_71 : i32 to index
      %parallel_loop3A_73 = arith.index_cast %parallel_loop3A_26 : i32 to index
      %parallel_loop3A_74 = tpu.vector_load %arg7[%parallel_loop3A_72, %parallel_loop3A_73] {strides = array<i32>} : memref<16x1280xf32, #tpu.memory_space<vmem>>, vector<16xf32>,
      tpu.vector_store %arg7[%parallel_loop3A_72, %parallel_loop3A_73], %broadcast_in_dim3A_12 {strides = array<i32>} : memref<16x1280xf32, #tpu.memory_space<vmem>>, vector<16xf32>,
      %parallel_loop3A_75 = arith.constant 12 : i32
      %parallel_loop3A_76 = arith.index_cast %parallel_loop3A_75 : i32 to index
      %parallel_loop3A_77 = arith.index_cast %parallel_loop3A_26 : i32 to index
      %parallel_loop3A_78 = tpu.vector_load %arg7[%parallel_loop3A_76, %parallel_loop3A_77] {strides = array<i32>} : memref<16x1280xf32, #tpu.memory_space<vmem>>, vector<16xf32>,
      tpu.vector_store %arg7[%parallel_loop3A_76, %parallel_loop3A_77], %broadcast_in_dim3A_12 {strides = array<i32>} : memref<16x1280xf32, #tpu.memory_space<vmem>>, vector<16xf32>,
      %parallel_loop3A_79 = arith.constant 13 : i32
      %parallel_loop3A_80 = arith.index_cast %parallel_loop3A_79 : i32 to index
      %parallel_loop3A_81 = arith.index_cast %parallel_loop3A_26 : i32 to index
      %parallel_loop3A_82 = tpu.vector_load %arg7[%parallel_loop3A_80, %parallel_loop3A_81] {strides = array<i32>} : memref<16x1280xf32, #tpu.memory_space<vmem>>, vector<16xf32>,
      tpu.vector_store %arg7[%parallel_loop3A_80, %parallel_loop3A_81], %broadcast_in_dim3A_12 {strides = array<i32>} : memref<16x1280xf32, #tpu.memory_space<vmem>>, vector<16xf32>,
      %parallel_loop3A_83 = arith.constant 14 : i32
      %parallel_loop3A_84 = arith.index_cast %parallel_loop3A_83 : i32 to index
      %parallel_loop3A_85 = arith.index_cast %parallel_loop3A_26 : i32 to index
      %parallel_loop3A_86 = tpu.vector_load %arg7[%parallel_loop3A_84, %parallel_loop3A_85] {strides = array<i32>} : memref<16x1280xf32, #tpu.memory_space<vmem>>, vector<16xf32>,
      tpu.vector_store %arg7[%parallel_loop3A_84, %parallel_loop3A_85], %broadcast_in_dim3A_12 {strides = array<i32>} : memref<16x1280xf32, #tpu.memory_space<vmem>>, vector<16xf32>,
      %parallel_loop3A_87 = arith.constant 15 : i32
      %parallel_loop3A_88 = arith.index_cast %parallel_loop3A_87 : i32 to index
      %parallel_loop3A_89 = arith.index_cast %parallel_loop3A_26 : i32 to index
      %parallel_loop3A_90 = tpu.vector_load %arg7[%parallel_loop3A_88, %parallel_loop3A_89] {strides = array<i32>} : memref<16x1280xf32, #tpu.memory_space<vmem>>, vector<16xf32>,
      tpu.vector_store %arg7[%parallel_loop3A_88, %parallel_loop3A_89], %broadcast_in_dim3A_12 {strides = array<i32>} : memref<16x1280xf32, #tpu.memory_space<vmem>>, vector<16xf32>,
    } {sc.loop_unroll_factor = 1 : i64, sc.parallel_access}
    %swap3A = arith.constant 0 : index
    %swap3A_15 = tpu.vector_load %arg8[%swap3A] {strides = array<i32>} : memref<16xf32, #tpu.memory_space<vmem>>, vector<16xf32>,
    tpu.vector_store %arg8[%swap3A], %broadcast_in_dim3A_12 {strides = array<i32>} : memref<16xf32, #tpu.memory_space<vmem>>, vector<16xf32>,
    %scan3A = arith.constant 0 : i32
    %scan3A_16 = arith.constant 0 : i32
    %scan3A_17 = arith.constant 5 : i32
    %scan3A_18 = arith.addi %scan3A_16, %scan3A_17 : i32
    %scan3A_19 = arith.constant 1 : i32
    %scan3A_20 = scf.for %scan3A_24 = %scan3A_16 to %scan3A_18 step %scan3A_19 iter_args(%scan3A_25 = %scan3A) -> (i32)  : i32 {
      %mul3A_26 = arith.constant 2 : i32
      %mul3A_27 = arith.muli %scan3A_24, %mul3A_26 : i32
      %add3A_28 = arith.constant 0 : i32
      %add3A_29 = arith.addi %mul3A_27, %add3A_28 : i32
      %mul3A_30 = arith.constant 32 : i32
      %mul3A_31 = arith.muli %add3A_29, %mul3A_30 : i32
      %add3A_32 = arith.addi %mul3A_2, %mul3A_31 : i32
      %dma_wait3A = arith.constant 0 : i32
      %dma_wait3A_33 = tpu.memref_slice %arg2[%add3A_32, %dma_wait3A] : memref<32768x1280xf32, #tpu.memory_space<hbm>> -> memref<32x1280xf32, #tpu.memory_space<hbm>>
      %dma_wait3A_34 = arith.constant 0 : i32
      %dma_wait3A_35 = tpu.memref_slice %arg2[%add3A_32, %dma_wait3A_34] : memref<32768x1280xf32, #tpu.memory_space<hbm>> -> memref<32x1280xf32, #tpu.memory_space<hbm>>
      tpu.wait_dma2 semaphore(%arg11 : memref<!tpu.dma_semaphore, #tpu.memory_space<semaphore_mem>>) src(%dma_wait3A_35 : memref<32x1280xf32, #tpu.memory_space<hbm>>) dst(%arg9 : memref<32x1280xf32, #tpu.memory_space<vmem>>)
      %mul3A_36 = arith.constant 32 : i32
      %mul3A_37 = arith.muli %add3A_29, %mul3A_36 : i32
      %get3A = arith.index_cast %mul3A_37 : i32 to index
      %get3A_38 = tpu.vector_load %arg6[%get3A] {strides = array<i32>} : memref<336xi32, #tpu.memory_space<vmem>>, vector<16xi32>,
      %add3A_39 = arith.constant 16 : i32
      %add3A_40 = arith.addi %mul3A_37, %add3A_39 : i32
      %get3A_41 = arith.index_cast %add3A_40 : i32 to index
      %get3A_42 = tpu.vector_load %arg6[%get3A_41] {strides = array<i32>} : memref<336xi32, #tpu.memory_space<vmem>>, vector<16xi32>,
      %slice3A = vector.extract_strided_slice %get3A_38 {offsets = [0], sizes = [1], strides = [1]} : vector<16xi32> to vector<1xi32>
      %squeeze3A = vector.extract %slice3A[0] : i32 from vector<1xi32>
      %broadcast_in_dim3A_43 = vector.broadcast %squeeze3A : i32 to vector<16xi32>
      %eq3A = arith.cmpi eq, %get3A_38, %broadcast_in_dim3A_43 : vector<16xi32>
      %eq3A_44 = arith.cmpi eq, %get3A_42, %broadcast_in_dim3A_43 : vector<16xi32>
      %and3A = arith.andi %eq3A, %eq3A_44 : vector<16xi1>
      %reduce_and3A = arith.constant 1.000000e+00 : f32
      %reduce_and3A_45 = arith.constant 0.000000e+00 : f32
      %reduce_and3A_46 = vector.broadcast %reduce_and3A : f32 to vector<16xf32>
      %reduce_and3A_47 = vector.broadcast %reduce_and3A_45 : f32 to vector<16xf32>
      %reduce_and3A_48 = arith.select %and3A, %reduce_and3A_46, %reduce_and3A_47 : vector<16xi1>, vector<16xf32>
      %reduce_and3A_49 = arith.constant true
      %reduce_and3A_50 = vector.broadcast %reduce_and3A_49 : i1 to vector<16xi1>
      %reduce_and3A_51 = tpu.scan <min>, %reduce_and3A_48 masked %reduce_and3A_50 : vector<16xf32>, vector<16xi1> -> vector<16xf32>
      %reduce_and3A_52 = vector.extract %reduce_and3A_51[15] : f32 from vector<16xf32>
      %reduce_and3A_53 = arith.constant 0.000000e+00 : f32
      %reduce_and3A_54 = arith.cmpf ogt, %reduce_and3A_52, %reduce_and3A_53 : f32
      %convert_element_type3A = arith.extui %reduce_and3A_54 : i1 to i32
      %cond3A = arith.constant 0 : i32
      %cond3A_55 = arith.cmpi ne, %convert_element_type3A, %cond3A : i32
      scf.if %cond3A_55 {
        %parallel_loop3A_109 = arith.constant 0 : i32
        %parallel_loop3A_110 = arith.constant 80 : i32
        %parallel_loop3A_111 = arith.constant 1 : i32
        scf.for %parallel_loop3A_121 = %parallel_loop3A_109 to %parallel_loop3A_110 step %parallel_loop3A_111  : i32 {
          %parallel_loop3A_122 = arith.constant 16 : i32
          %parallel_loop3A_123 = arith.muli %parallel_loop3A_121, %parallel_loop3A_122 : i32
          %parallel_loop3A_124 = arith.constant 0 : i32
          %parallel_loop3A_125 = arith.index_cast %parallel_loop3A_124 : i32 to index
          %parallel_loop3A_126 = arith.index_cast %parallel_loop3A_123 : i32 to index
          %parallel_loop3A_127 = tpu.vector_load %arg9[%parallel_loop3A_125, %parallel_loop3A_126] {strides = array<i32>} : memref<32x1280xf32, #tpu.memory_space<vmem>>, vector<16xf32>,
          %parallel_loop3A_128 = arith.constant 1 : i32
          %parallel_loop3A_129 = arith.index_cast %parallel_loop3A_128 : i32 to index
          %parallel_loop3A_130 = arith.index_cast %parallel_loop3A_123 : i32 to index
          %parallel_loop3A_131 = tpu.vector_load %arg9[%parallel_loop3A_129, %parallel_loop3A_130] {strides = array<i32>} : memref<32x1280xf32, #tpu.memory_space<vmem>>, vector<16xf32>,
          %parallel_loop3A_132 = arith.constant 2 : i32
          %parallel_loop3A_133 = arith.index_cast %parallel_loop3A_132 : i32 to index
          %parallel_loop3A_134 = arith.index_cast %parallel_loop3A_123 : i32 to index
          %parallel_loop3A_135 = tpu.vector_load %arg9[%parallel_loop3A_133, %parallel_loop3A_134] {strides = array<i32>} : memref<32x1280xf32, #tpu.memory_space<vmem>>, vector<16xf32>,
          %parallel_loop3A_136 = arith.constant 3 : i32
          %parallel_loop3A_137 = arith.index_cast %parallel_loop3A_136 : i32 to index
          %parallel_loop3A_138 = arith.index_cast %parallel_loop3A_123 : i32 to index
          %parallel_loop3A_139 = tpu.vector_load %arg9[%parallel_loop3A_137, %parallel_loop3A_138] {strides = array<i32>} : memref<32x1280xf32, #tpu.memory_space<vmem>>, vector<16xf32>,
          %parallel_loop3A_140 = arith.constant 4 : i32
          %parallel_loop3A_141 = arith.index_cast %parallel_loop3A_140 : i32 to index
          %parallel_loop3A_142 = arith.index_cast %parallel_loop3A_123 : i32 to index
          %parallel_loop3A_143 = tpu.vector_load %arg9[%parallel_loop3A_141, %parallel_loop3A_142] {strides = array<i32>} : memref<32x1280xf32, #tpu.memory_space<vmem>>, vector<16xf32>,
          %parallel_loop3A_144 = arith.constant 5 : i32
          %parallel_loop3A_145 = arith.index_cast %parallel_loop3A_144 : i32 to index
          %parallel_loop3A_146 = arith.index_cast %parallel_loop3A_123 : i32 to index
          %parallel_loop3A_147 = tpu.vector_load %arg9[%parallel_loop3A_145, %parallel_loop3A_146] {strides = array<i32>} : memref<32x1280xf32, #tpu.memory_space<vmem>>, vector<16xf32>,
          %parallel_loop3A_148 = arith.constant 6 : i32
          %parallel_loop3A_149 = arith.index_cast %parallel_loop3A_148 : i32 to index
          %parallel_loop3A_150 = arith.index_cast %parallel_loop3A_123 : i32 to index
          %parallel_loop3A_151 = tpu.vector_load %arg9[%parallel_loop3A_149, %parallel_loop3A_150] {strides = array<i32>} : memref<32x1280xf32, #tpu.memory_space<vmem>>, vector<16xf32>,
          %parallel_loop3A_152 = arith.constant 7 : i32
          %parallel_loop3A_153 = arith.index_cast %parallel_loop3A_152 : i32 to index
          %parallel_loop3A_154 = arith.index_cast %parallel_loop3A_123 : i32 to index
          %parallel_loop3A_155 = tpu.vector_load %arg9[%parallel_loop3A_153, %parallel_loop3A_154] {strides = array<i32>} : memref<32x1280xf32, #tpu.memory_space<vmem>>, vector<16xf32>,
          %parallel_loop3A_156 = arith.constant 8 : i32
          %parallel_loop3A_157 = arith.index_cast %parallel_loop3A_156 : i32 to index
          %parallel_loop3A_158 = arith.index_cast %parallel_loop3A_123 : i32 to index
          %parallel_loop3A_159 = tpu.vector_load %arg9[%parallel_loop3A_157, %parallel_loop3A_158] {strides = array<i32>} : memref<32x1280xf32, #tpu.memory_space<vmem>>, vector<16xf32>,
          %parallel_loop3A_160 = arith.constant 9 : i32
          %parallel_loop3A_161 = arith.index_cast %parallel_loop3A_160 : i32 to index
          %parallel_loop3A_162 = arith.index_cast %parallel_loop3A_123 : i32 to index
          %parallel_loop3A_163 = tpu.vector_load %arg9[%parallel_loop3A_161, %parallel_loop3A_162] {strides = array<i32>} : memref<32x1280xf32, #tpu.memory_space<vmem>>, vector<16xf32>,
          %parallel_loop3A_164 = arith.constant 10 : i32
          %parallel_loop3A_165 = arith.index_cast %parallel_loop3A_164 : i32 to index
          %parallel_loop3A_166 = arith.index_cast %parallel_loop3A_123 : i32 to index
          %parallel_loop3A_167 = tpu.vector_load %arg9[%parallel_loop3A_165, %parallel_loop3A_166] {strides = array<i32>} : memref<32x1280xf32, #tpu.memory_space<vmem>>, vector<16xf32>,
          %parallel_loop3A_168 = arith.constant 11 : i32
          %parallel_loop3A_169 = arith.index_cast %parallel_loop3A_168 : i32 to index
          %parallel_loop3A_170 = arith.index_cast %parallel_loop3A_123 : i32 to index
          %parallel_loop3A_171 = tpu.vector_load %arg9[%parallel_loop3A_169, %parallel_loop3A_170] {strides = array<i32>} : memref<32x1280xf32, #tpu.memory_space<vmem>>, vector<16xf32>,
          %parallel_loop3A_172 = arith.constant 12 : i32
          %parallel_loop3A_173 = arith.index_cast %parallel_loop3A_172 : i32 to index
          %parallel_loop3A_174 = arith.index_cast %parallel_loop3A_123 : i32 to index
          %parallel_loop3A_175 = tpu.vector_load %arg9[%parallel_loop3A_173, %parallel_loop3A_174] {strides = array<i32>} : memref<32x1280xf32, #tpu.memory_space<vmem>>, vector<16xf32>,
          %parallel_loop3A_176 = arith.constant 13 : i32
          %parallel_loop3A_177 = arith.index_cast %parallel_loop3A_176 : i32 to index
          %parallel_loop3A_178 = arith.index_cast %parallel_loop3A_123 : i32 to index
          %parallel_loop3A_179 = tpu.vector_load %arg9[%parallel_loop3A_177, %parallel_loop3A_178] {strides = array<i32>} : memref<32x1280xf32, #tpu.memory_space<vmem>>, vector<16xf32>,
          %parallel_loop3A_180 = arith.constant 14 : i32
          %parallel_loop3A_181 = arith.index_cast %parallel_loop3A_180 : i32 to index
          %parallel_loop3A_182 = arith.index_cast %parallel_loop3A_123 : i32 to index
          %parallel_loop3A_183 = tpu.vector_load %arg9[%parallel_loop3A_181, %parallel_loop3A_182] {strides = array<i32>} : memref<32x1280xf32, #tpu.memory_space<vmem>>, vector<16xf32>,
          %parallel_loop3A_184 = arith.constant 15 : i32
          %parallel_loop3A_185 = arith.index_cast %parallel_loop3A_184 : i32 to index
          %parallel_loop3A_186 = arith.index_cast %parallel_loop3A_123 : i32 to index
          %parallel_loop3A_187 = tpu.vector_load %arg9[%parallel_loop3A_185, %parallel_loop3A_186] {strides = array<i32>} : memref<32x1280xf32, #tpu.memory_space<vmem>>, vector<16xf32>,
          %parallel_loop3A_188 = arith.constant 16 : i32
          %parallel_loop3A_189 = arith.index_cast %parallel_loop3A_188 : i32 to index
          %parallel_loop3A_190 = arith.index_cast %parallel_loop3A_123 : i32 to index
          %parallel_loop3A_191 = tpu.vector_load %arg9[%parallel_loop3A_189, %parallel_loop3A_190] {strides = array<i32>} : memref<32x1280xf32, #tpu.memory_space<vmem>>, vector<16xf32>,
          %parallel_loop3A_192 = arith.constant 17 : i32
          %parallel_loop3A_193 = arith.index_cast %parallel_loop3A_192 : i32 to index
          %parallel_loop3A_194 = arith.index_cast %parallel_loop3A_123 : i32 to index
          %parallel_loop3A_195 = tpu.vector_load %arg9[%parallel_loop3A_193, %parallel_loop3A_194] {strides = array<i32>} : memref<32x1280xf32, #tpu.memory_space<vmem>>, vector<16xf32>,
          %parallel_loop3A_196 = arith.constant 18 : i32
          %parallel_loop3A_197 = arith.index_cast %parallel_loop3A_196 : i32 to index
          %parallel_loop3A_198 = arith.index_cast %parallel_loop3A_123 : i32 to index
          %parallel_loop3A_199 = tpu.vector_load %arg9[%parallel_loop3A_197, %parallel_loop3A_198] {strides = array<i32>} : memref<32x1280xf32, #tpu.memory_space<vmem>>, vector<16xf32>,
          %parallel_loop3A_200 = arith.constant 19 : i32
          %parallel_loop3A_201 = arith.index_cast %parallel_loop3A_200 : i32 to index
          %parallel_loop3A_202 = arith.index_cast %parallel_loop3A_123 : i32 to index
          %parallel_loop3A_203 = tpu.vector_load %arg9[%parallel_loop3A_201, %parallel_loop3A_202] {strides = array<i32>} : memref<32x1280xf32, #tpu.memory_space<vmem>>, vector<16xf32>,
          %parallel_loop3A_204 = arith.constant 20 : i32
          %parallel_loop3A_205 = arith.index_cast %parallel_loop3A_204 : i32 to index
          %parallel_loop3A_206 = arith.index_cast %parallel_loop3A_123 : i32 to index
          %parallel_loop3A_207 = tpu.vector_load %arg9[%parallel_loop3A_205, %parallel_loop3A_206] {strides = array<i32>} : memref<32x1280xf32, #tpu.memory_space<vmem>>, vector<16xf32>,
          %parallel_loop3A_208 = arith.constant 21 : i32
          %parallel_loop3A_209 = arith.index_cast %parallel_loop3A_208 : i32 to index
          %parallel_loop3A_210 = arith.index_cast %parallel_loop3A_123 : i32 to index
          %parallel_loop3A_211 = tpu.vector_load %arg9[%parallel_loop3A_209, %parallel_loop3A_210] {strides = array<i32>} : memref<32x1280xf32, #tpu.memory_space<vmem>>, vector<16xf32>,
          %parallel_loop3A_212 = arith.constant 22 : i32
          %parallel_loop3A_213 = arith.index_cast %parallel_loop3A_212 : i32 to index
          %parallel_loop3A_214 = arith.index_cast %parallel_loop3A_123 : i32 to index
          %parallel_loop3A_215 = tpu.vector_load %arg9[%parallel_loop3A_213, %parallel_loop3A_214] {strides = array<i32>} : memref<32x1280xf32, #tpu.memory_space<vmem>>, vector<16xf32>,
          %parallel_loop3A_216 = arith.constant 23 : i32
          %parallel_loop3A_217 = arith.index_cast %parallel_loop3A_216 : i32 to index
          %parallel_loop3A_218 = arith.index_cast %parallel_loop3A_123 : i32 to index
          %parallel_loop3A_219 = tpu.vector_load %arg9[%parallel_loop3A_217, %parallel_loop3A_218] {strides = array<i32>} : memref<32x1280xf32, #tpu.memory_space<vmem>>, vector<16xf32>,
          %parallel_loop3A_220 = arith.constant 24 : i32
          %parallel_loop3A_221 = arith.index_cast %parallel_loop3A_220 : i32 to index
          %parallel_loop3A_222 = arith.index_cast %parallel_loop3A_123 : i32 to index
          %parallel_loop3A_223 = tpu.vector_load %arg9[%parallel_loop3A_221, %parallel_loop3A_222] {strides = array<i32>} : memref<32x1280xf32, #tpu.memory_space<vmem>>, vector<16xf32>,
          %parallel_loop3A_224 = arith.constant 25 : i32
          %parallel_loop3A_225 = arith.index_cast %parallel_loop3A_224 : i32 to index
          %parallel_loop3A_226 = arith.index_cast %parallel_loop3A_123 : i32 to index
          %parallel_loop3A_227 = tpu.vector_load %arg9[%parallel_loop3A_225, %parallel_loop3A_226] {strides = array<i32>} : memref<32x1280xf32, #tpu.memory_space<vmem>>, vector<16xf32>,
          %parallel_loop3A_228 = arith.constant 26 : i32
          %parallel_loop3A_229 = arith.index_cast %parallel_loop3A_228 : i32 to index
          %parallel_loop3A_230 = arith.index_cast %parallel_loop3A_123 : i32 to index
          %parallel_loop3A_231 = tpu.vector_load %arg9[%parallel_loop3A_229, %parallel_loop3A_230] {strides = array<i32>} : memref<32x1280xf32, #tpu.memory_space<vmem>>, vector<16xf32>,
          %parallel_loop3A_232 = arith.constant 27 : i32
          %parallel_loop3A_233 = arith.index_cast %parallel_loop3A_232 : i32 to index
          %parallel_loop3A_234 = arith.index_cast %parallel_loop3A_123 : i32 to index
          %parallel_loop3A_235 = tpu.vector_load %arg9[%parallel_loop3A_233, %parallel_loop3A_234] {strides = array<i32>} : memref<32x1280xf32, #tpu.memory_space<vmem>>, vector<16xf32>,
          %parallel_loop3A_236 = arith.constant 28 : i32
          %parallel_loop3A_237 = arith.index_cast %parallel_loop3A_236 : i32 to index
          %parallel_loop3A_238 = arith.index_cast %parallel_loop3A_123 : i32 to index
          %parallel_loop3A_239 = tpu.vector_load %arg9[%parallel_loop3A_237, %parallel_loop3A_238] {strides = array<i32>} : memref<32x1280xf32, #tpu.memory_space<vmem>>, vector<16xf32>,
          %parallel_loop3A_240 = arith.constant 29 : i32
          %parallel_loop3A_241 = arith.index_cast %parallel_loop3A_240 : i32 to index
          %parallel_loop3A_242 = arith.index_cast %parallel_loop3A_123 : i32 to index
          %parallel_loop3A_243 = tpu.vector_load %arg9[%parallel_loop3A_241, %parallel_loop3A_242] {strides = array<i32>} : memref<32x1280xf32, #tpu.memory_space<vmem>>, vector<16xf32>,
          %parallel_loop3A_244 = arith.constant 30 : i32
          %parallel_loop3A_245 = arith.index_cast %parallel_loop3A_244 : i32 to index
          %parallel_loop3A_246 = arith.index_cast %parallel_loop3A_123 : i32 to index
          %parallel_loop3A_247 = tpu.vector_load %arg9[%parallel_loop3A_245, %parallel_loop3A_246] {strides = array<i32>} : memref<32x1280xf32, #tpu.memory_space<vmem>>, vector<16xf32>,
          %parallel_loop3A_248 = arith.constant 31 : i32
          %parallel_loop3A_249 = arith.index_cast %parallel_loop3A_248 : i32 to index
          %parallel_loop3A_250 = arith.index_cast %parallel_loop3A_123 : i32 to index
          %parallel_loop3A_251 = tpu.vector_load %arg9[%parallel_loop3A_249, %parallel_loop3A_250] {strides = array<i32>} : memref<32x1280xf32, #tpu.memory_space<vmem>>, vector<16xf32>,
          %parallel_loop3A_252 = arith.addf %parallel_loop3A_127, %parallel_loop3A_131 : vector<16xf32>
          %parallel_loop3A_253 = arith.addf %parallel_loop3A_135, %parallel_loop3A_139 : vector<16xf32>
          %parallel_loop3A_254 = arith.addf %parallel_loop3A_143, %parallel_loop3A_147 : vector<16xf32>
          %parallel_loop3A_255 = arith.addf %parallel_loop3A_151, %parallel_loop3A_155 : vector<16xf32>
          %parallel_loop3A_256 = arith.addf %parallel_loop3A_159, %parallel_loop3A_163 : vector<16xf32>
          %parallel_loop3A_257 = arith.addf %parallel_loop3A_167, %parallel_loop3A_171 : vector<16xf32>
          %parallel_loop3A_258 = arith.addf %parallel_loop3A_175, %parallel_loop3A_179 : vector<16xf32>
          %parallel_loop3A_259 = arith.addf %parallel_loop3A_183, %parallel_loop3A_187 : vector<16xf32>
          %parallel_loop3A_260 = arith.addf %parallel_loop3A_191, %parallel_loop3A_195 : vector<16xf32>
          %parallel_loop3A_261 = arith.addf %parallel_loop3A_199, %parallel_loop3A_203 : vector<16xf32>
          %parallel_loop3A_262 = arith.addf %parallel_loop3A_207, %parallel_loop3A_211 : vector<16xf32>
          %parallel_loop3A_263 = arith.addf %parallel_loop3A_215, %parallel_loop3A_219 : vector<16xf32>
          %parallel_loop3A_264 = arith.addf %parallel_loop3A_223, %parallel_loop3A_227 : vector<16xf32>
          %parallel_loop3A_265 = arith.addf %parallel_loop3A_231, %parallel_loop3A_235 : vector<16xf32>
          %parallel_loop3A_266 = arith.addf %parallel_loop3A_239, %parallel_loop3A_243 : vector<16xf32>
          %parallel_loop3A_267 = arith.addf %parallel_loop3A_247, %parallel_loop3A_251 : vector<16xf32>
          %parallel_loop3A_268 = arith.addf %parallel_loop3A_252, %parallel_loop3A_253 : vector<16xf32>
          %parallel_loop3A_269 = arith.addf %parallel_loop3A_254, %parallel_loop3A_255 : vector<16xf32>
          %parallel_loop3A_270 = arith.addf %parallel_loop3A_256, %parallel_loop3A_257 : vector<16xf32>
          %parallel_loop3A_271 = arith.addf %parallel_loop3A_258, %parallel_loop3A_259 : vector<16xf32>
          %parallel_loop3A_272 = arith.addf %parallel_loop3A_260, %parallel_loop3A_261 : vector<16xf32>
          %parallel_loop3A_273 = arith.addf %parallel_loop3A_262, %parallel_loop3A_263 : vector<16xf32>
          %parallel_loop3A_274 = arith.addf %parallel_loop3A_264, %parallel_loop3A_265 : vector<16xf32>
          %parallel_loop3A_275 = arith.addf %parallel_loop3A_266, %parallel_loop3A_267 : vector<16xf32>
          %parallel_loop3A_276 = arith.addf %parallel_loop3A_268, %parallel_loop3A_269 : vector<16xf32>
          %parallel_loop3A_277 = arith.addf %parallel_loop3A_270, %parallel_loop3A_271 : vector<16xf32>
          %parallel_loop3A_278 = arith.addf %parallel_loop3A_272, %parallel_loop3A_273 : vector<16xf32>
          %parallel_loop3A_279 = arith.addf %parallel_loop3A_274, %parallel_loop3A_275 : vector<16xf32>
          %parallel_loop3A_280 = arith.addf %parallel_loop3A_276, %parallel_loop3A_277 : vector<16xf32>
          %parallel_loop3A_281 = arith.addf %parallel_loop3A_278, %parallel_loop3A_279 : vector<16xf32>
          %parallel_loop3A_282 = arith.addf %parallel_loop3A_280, %parallel_loop3A_281 : vector<16xf32>
          %parallel_loop3A_283 = arith.index_cast %squeeze3A : i32 to index
          %parallel_loop3A_284 = arith.index_cast %parallel_loop3A_123 : i32 to index
          %parallel_loop3A_285 = tpu.vector_load %arg7[%parallel_loop3A_283, %parallel_loop3A_284] {strides = array<i32>} : memref<16x1280xf32, #tpu.memory_space<vmem>>, vector<16xf32>,
          tpu.vector_store %arg7[%parallel_loop3A_283, %parallel_loop3A_284], %parallel_loop3A_282 {add = true, strides = array<i32>} : memref<16x1280xf32, #tpu.memory_space<vmem>>, vector<16xf32>,
        } {sc.loop_unroll_factor = 1 : i64, sc.parallel_access}
        %get3A_112 = arith.constant 0 : index
        %get3A_113 = tpu.vector_load %arg8[%get3A_112] {strides = array<i32>} : memref<16xf32, #tpu.memory_space<vmem>>, vector<16xf32>,
        %eq3A_114 = arith.cmpi eq, %iota3A, %broadcast_in_dim3A_43 : vector<16xi32>
        %jit3A = arith.constant 3.200000e+01 : f32
        %jit3A_115 = arith.constant 0.000000e+00 : f32
        %broadcast_in_dim3A_116 = vector.broadcast %jit3A : f32 to vector<16xf32>
        %broadcast_in_dim3A_117 = vector.broadcast %jit3A_115 : f32 to vector<16xf32>
        %select_n3A = arith.select %eq3A_114, %broadcast_in_dim3A_116, %broadcast_in_dim3A_117 : vector<16xi1>, vector<16xf32>
        %add3A_118 = arith.addf %get3A_113, %select_n3A : vector<16xf32>
        %swap3A_119 = arith.constant 0 : index
        %swap3A_120 = tpu.vector_load %arg8[%swap3A_119] {strides = array<i32>} : memref<16xf32, #tpu.memory_space<vmem>>, vector<16xf32>,
        tpu.vector_store %arg8[%swap3A_119], %add3A_118 {strides = array<i32>} : memref<16xf32, #tpu.memory_space<vmem>>, vector<16xf32>,
      } else {
        %scan3A_109 = arith.constant 0 : i32
        %scan3A_110 = arith.constant 0 : i32
        %scan3A_111 = arith.constant 32 : i32
        %scan3A_112 = arith.addi %scan3A_110, %scan3A_111 : i32
        %scan3A_113 = arith.constant 1 : i32
        %scan3A_114 = scf.for %scan3A_116 = %scan3A_110 to %scan3A_112 step %scan3A_113 iter_args(%scan3A_117 = %scan3A_109) -> (i32)  : i32 {
          %add3A_118 = arith.addi %mul3A_37, %scan3A_116 : i32
          %get3A_119 = arith.index_cast %add3A_118 : i32 to index
          %get3A_120 = tpu.vector_load %arg6[%get3A_119] {strides = array<i32>} : memref<336xi32, #tpu.memory_space<vmem>>, vector<16xi32>,
          %slice3A_121 = vector.extract_strided_slice %get3A_120 {offsets = [0], sizes = [1], strides = [1]} : vector<16xi32> to vector<1xi32>
          %squeeze3A_122 = vector.extract %slice3A_121[0] : i32 from vector<1xi32>
          %parallel_loop3A_123 = arith.constant 0 : i32
          %parallel_loop3A_124 = arith.constant 80 : i32
          %parallel_loop3A_125 = arith.constant 1 : i32
          scf.for %parallel_loop3A_137 = %parallel_loop3A_123 to %parallel_loop3A_124 step %parallel_loop3A_125  : i32 {
            %parallel_loop3A_138 = arith.constant 16 : i32
            %parallel_loop3A_139 = arith.muli %parallel_loop3A_137, %parallel_loop3A_138 : i32
            %parallel_loop3A_140 = arith.index_cast %scan3A_116 : i32 to index
            %parallel_loop3A_141 = arith.index_cast %parallel_loop3A_139 : i32 to index
            %parallel_loop3A_142 = tpu.vector_load %arg9[%parallel_loop3A_140, %parallel_loop3A_141] {strides = array<i32>} : memref<32x1280xf32, #tpu.memory_space<vmem>>, vector<16xf32>,
            %parallel_loop3A_143 = arith.index_cast %squeeze3A_122 : i32 to index
            %parallel_loop3A_144 = arith.index_cast %parallel_loop3A_139 : i32 to index
            %parallel_loop3A_145 = tpu.vector_load %arg7[%parallel_loop3A_143, %parallel_loop3A_144] {strides = array<i32>} : memref<16x1280xf32, #tpu.memory_space<vmem>>, vector<16xf32>,
            tpu.vector_store %arg7[%parallel_loop3A_143, %parallel_loop3A_144], %parallel_loop3A_142 {add = true, strides = array<i32>} : memref<16x1280xf32, #tpu.memory_space<vmem>>, vector<16xf32>,
          } {sc.loop_unroll_factor = 1 : i64, sc.parallel_access}
          %get3A_126 = arith.constant 0 : index
          %get3A_127 = tpu.vector_load %arg8[%get3A_126] {strides = array<i32>} : memref<16xf32, #tpu.memory_space<vmem>>, vector<16xf32>,
          %broadcast_in_dim3A_128 = vector.broadcast %squeeze3A_122 : i32 to vector<16xi32>
          %eq3A_129 = arith.cmpi eq, %iota3A, %broadcast_in_dim3A_128 : vector<16xi32>
          %jit3A = arith.constant 1.000000e+00 : f32
          %jit3A_130 = arith.constant 0.000000e+00 : f32
          %broadcast_in_dim3A_131 = vector.broadcast %jit3A : f32 to vector<16xf32>
          %broadcast_in_dim3A_132 = vector.broadcast %jit3A_130 : f32 to vector<16xf32>
          %select_n3A = arith.select %eq3A_129, %broadcast_in_dim3A_131, %broadcast_in_dim3A_132 : vector<16xi1>, vector<16xf32>
          %add3A_133 = arith.addf %get3A_127, %select_n3A : vector<16xf32>
          %swap3A_134 = arith.constant 0 : index
          %swap3A_135 = tpu.vector_load %arg8[%swap3A_134] {strides = array<i32>} : memref<16xf32, #tpu.memory_space<vmem>>, vector<16xf32>,
          tpu.vector_store %arg8[%swap3A_134], %add3A_133 {strides = array<i32>} : memref<16xf32, #tpu.memory_space<vmem>>, vector<16xf32>,
          %scan3A_136 = arith.constant 0 : i32
          scf.yield %scan3A_136 : i32
        }
        %scan3A_115 = arith.constant 32 : i32
      }
      %add3A_56 = arith.constant 2 : i32
      %add3A_57 = arith.addi %add3A_29, %add3A_56 : i32
      %lt3A = arith.constant 10 : i32
      %lt3A_58 = arith.cmpi slt, %add3A_57, %lt3A : i32
      %convert_element_type3A_59 = arith.extui %lt3A_58 : i1 to i32
      %cond3A_60 = arith.constant 0 : i32
      %cond3A_61 = arith.cmpi ne, %convert_element_type3A_59, %cond3A_60 : i32
      scf.if %cond3A_61 {
        %add3A_109 = arith.constant 2 : i32
        %add3A_110 = arith.addi %add3A_29, %add3A_109 : i32
        %mul3A_111 = arith.constant 32 : i32
        %mul3A_112 = arith.muli %add3A_110, %mul3A_111 : i32
        %add3A_113 = arith.addi %mul3A_2, %mul3A_112 : i32
        %dma_start3A_114 = arith.constant 0 : i32
        %dma_start3A_115 = tpu.memref_slice %arg2[%add3A_113, %dma_start3A_114] : memref<32768x1280xf32, #tpu.memory_space<hbm>> -> memref<32x1280xf32, #tpu.memory_space<hbm>>
        %dma_start3A_116 = arith.constant 0 : i32
        %dma_start3A_117 = tpu.memref_slice %arg2[%add3A_113, %dma_start3A_116] : memref<32768x1280xf32, #tpu.memory_space<hbm>> -> memref<32x1280xf32, #tpu.memory_space<hbm>>
        tpu.enqueue_dma source(%dma_start3A_117 : memref<32x1280xf32, #tpu.memory_space<hbm>>) target(%arg9 : memref<32x1280xf32, #tpu.memory_space<vmem>>) target_semaphore(%arg11 : memref<!tpu.dma_semaphore, #tpu.memory_space<semaphore_mem>>)
      } else {
      }
      %mul3A_62 = arith.constant 2 : i32
      %mul3A_63 = arith.muli %scan3A_24, %mul3A_62 : i32
      %add3A_64 = arith.constant 1 : i32
      %add3A_65 = arith.addi %mul3A_63, %add3A_64 : i32
      %mul3A_66 = arith.constant 32 : i32
      %mul3A_67 = arith.muli %add3A_65, %mul3A_66 : i32
      %add3A_68 = arith.addi %mul3A_2, %mul3A_67 : i32
      %dma_wait3A_69 = arith.constant 0 : i32
      %dma_wait3A_70 = tpu.memref_slice %arg2[%add3A_68, %dma_wait3A_69] : memref<32768x1280xf32, #tpu.memory_space<hbm>> -> memref<32x1280xf32, #tpu.memory_space<hbm>>
      %dma_wait3A_71 = arith.constant 0 : i32
      %dma_wait3A_72 = tpu.memref_slice %arg2[%add3A_68, %dma_wait3A_71] : memref<32768x1280xf32, #tpu.memory_space<hbm>> -> memref<32x1280xf32, #tpu.memory_space<hbm>>
      tpu.wait_dma2 semaphore(%arg12 : memref<!tpu.dma_semaphore, #tpu.memory_space<semaphore_mem>>) src(%dma_wait3A_72 : memref<32x1280xf32, #tpu.memory_space<hbm>>) dst(%arg10 : memref<32x1280xf32, #tpu.memory_space<vmem>>)
      %mul3A_73 = arith.constant 32 : i32
      %mul3A_74 = arith.muli %add3A_65, %mul3A_73 : i32
      %get3A_75 = arith.index_cast %mul3A_74 : i32 to index
      %get3A_76 = tpu.vector_load %arg6[%get3A_75] {strides = array<i32>} : memref<336xi32, #tpu.memory_space<vmem>>, vector<16xi32>,
      %add3A_77 = arith.constant 16 : i32
      %add3A_78 = arith.addi %mul3A_74, %add3A_77 : i32
      %get3A_79 = arith.index_cast %add3A_78 : i32 to index
      %get3A_80 = tpu.vector_load %arg6[%get3A_79] {strides = array<i32>} : memref<336xi32, #tpu.memory_space<vmem>>, vector<16xi32>,
      %slice3A_81 = vector.extract_strided_slice %get3A_76 {offsets = [0], sizes = [1], strides = [1]} : vector<16xi32> to vector<1xi32>
      %squeeze3A_82 = vector.extract %slice3A_81[0] : i32 from vector<1xi32>
      %broadcast_in_dim3A_83 = vector.broadcast %squeeze3A_82 : i32 to vector<16xi32>
      %eq3A_84 = arith.cmpi eq, %get3A_76, %broadcast_in_dim3A_83 : vector<16xi32>
      %eq3A_85 = arith.cmpi eq, %get3A_80, %broadcast_in_dim3A_83 : vector<16xi32>
      %and3A_86 = arith.andi %eq3A_84, %eq3A_85 : vector<16xi1>
      %reduce_and3A_87 = arith.constant 1.000000e+00 : f32
      %reduce_and3A_88 = arith.constant 0.000000e+00 : f32
      %reduce_and3A_89 = vector.broadcast %reduce_and3A_87 : f32 to vector<16xf32>
      %reduce_and3A_90 = vector.broadcast %reduce_and3A_88 : f32 to vector<16xf32>
      %reduce_and3A_91 = arith.select %and3A_86, %reduce_and3A_89, %reduce_and3A_90 : vector<16xi1>, vector<16xf32>
      %reduce_and3A_92 = arith.constant true
      %reduce_and3A_93 = vector.broadcast %reduce_and3A_92 : i1 to vector<16xi1>
      %reduce_and3A_94 = tpu.scan <min>, %reduce_and3A_91 masked %reduce_and3A_93 : vector<16xf32>, vector<16xi1> -> vector<16xf32>
      %reduce_and3A_95 = vector.extract %reduce_and3A_94[15] : f32 from vector<16xf32>
      %reduce_and3A_96 = arith.constant 0.000000e+00 : f32
      %reduce_and3A_97 = arith.cmpf ogt, %reduce_and3A_95, %reduce_and3A_96 : f32
      %convert_element_type3A_98 = arith.extui %reduce_and3A_97 : i1 to i32
      %cond3A_99 = arith.constant 0 : i32
      %cond3A_100 = arith.cmpi ne, %convert_element_type3A_98, %cond3A_99 : i32
      scf.if %cond3A_100 {
        %parallel_loop3A_109 = arith.constant 0 : i32
        %parallel_loop3A_110 = arith.constant 80 : i32
        %parallel_loop3A_111 = arith.constant 1 : i32
        scf.for %parallel_loop3A_121 = %parallel_loop3A_109 to %parallel_loop3A_110 step %parallel_loop3A_111  : i32 {
          %parallel_loop3A_122 = arith.constant 16 : i32
          %parallel_loop3A_123 = arith.muli %parallel_loop3A_121, %parallel_loop3A_122 : i32
          %parallel_loop3A_124 = arith.constant 0 : i32
          %parallel_loop3A_125 = arith.index_cast %parallel_loop3A_124 : i32 to index
          %parallel_loop3A_126 = arith.index_cast %parallel_loop3A_123 : i32 to index
          %parallel_loop3A_127 = tpu.vector_load %arg10[%parallel_loop3A_125, %parallel_loop3A_126] {strides = array<i32>} : memref<32x1280xf32, #tpu.memory_space<vmem>>, vector<16xf32>,
          %parallel_loop3A_128 = arith.constant 1 : i32
          %parallel_loop3A_129 = arith.index_cast %parallel_loop3A_128 : i32 to index
          %parallel_loop3A_130 = arith.index_cast %parallel_loop3A_123 : i32 to index
          %parallel_loop3A_131 = tpu.vector_load %arg10[%parallel_loop3A_129, %parallel_loop3A_130] {strides = array<i32>} : memref<32x1280xf32, #tpu.memory_space<vmem>>, vector<16xf32>,
          %parallel_loop3A_132 = arith.constant 2 : i32
          %parallel_loop3A_133 = arith.index_cast %parallel_loop3A_132 : i32 to index
          %parallel_loop3A_134 = arith.index_cast %parallel_loop3A_123 : i32 to index
          %parallel_loop3A_135 = tpu.vector_load %arg10[%parallel_loop3A_133, %parallel_loop3A_134] {strides = array<i32>} : memref<32x1280xf32, #tpu.memory_space<vmem>>, vector<16xf32>,
          %parallel_loop3A_136 = arith.constant 3 : i32
          %parallel_loop3A_137 = arith.index_cast %parallel_loop3A_136 : i32 to index
          %parallel_loop3A_138 = arith.index_cast %parallel_loop3A_123 : i32 to index
          %parallel_loop3A_139 = tpu.vector_load %arg10[%parallel_loop3A_137, %parallel_loop3A_138] {strides = array<i32>} : memref<32x1280xf32, #tpu.memory_space<vmem>>, vector<16xf32>,
          %parallel_loop3A_140 = arith.constant 4 : i32
          %parallel_loop3A_141 = arith.index_cast %parallel_loop3A_140 : i32 to index
          %parallel_loop3A_142 = arith.index_cast %parallel_loop3A_123 : i32 to index
          %parallel_loop3A_143 = tpu.vector_load %arg10[%parallel_loop3A_141, %parallel_loop3A_142] {strides = array<i32>} : memref<32x1280xf32, #tpu.memory_space<vmem>>, vector<16xf32>,
          %parallel_loop3A_144 = arith.constant 5 : i32
          %parallel_loop3A_145 = arith.index_cast %parallel_loop3A_144 : i32 to index
          %parallel_loop3A_146 = arith.index_cast %parallel_loop3A_123 : i32 to index
          %parallel_loop3A_147 = tpu.vector_load %arg10[%parallel_loop3A_145, %parallel_loop3A_146] {strides = array<i32>} : memref<32x1280xf32, #tpu.memory_space<vmem>>, vector<16xf32>,
          %parallel_loop3A_148 = arith.constant 6 : i32
          %parallel_loop3A_149 = arith.index_cast %parallel_loop3A_148 : i32 to index
          %parallel_loop3A_150 = arith.index_cast %parallel_loop3A_123 : i32 to index
          %parallel_loop3A_151 = tpu.vector_load %arg10[%parallel_loop3A_149, %parallel_loop3A_150] {strides = array<i32>} : memref<32x1280xf32, #tpu.memory_space<vmem>>, vector<16xf32>,
          %parallel_loop3A_152 = arith.constant 7 : i32
          %parallel_loop3A_153 = arith.index_cast %parallel_loop3A_152 : i32 to index
          %parallel_loop3A_154 = arith.index_cast %parallel_loop3A_123 : i32 to index
          %parallel_loop3A_155 = tpu.vector_load %arg10[%parallel_loop3A_153, %parallel_loop3A_154] {strides = array<i32>} : memref<32x1280xf32, #tpu.memory_space<vmem>>, vector<16xf32>,
          %parallel_loop3A_156 = arith.constant 8 : i32
          %parallel_loop3A_157 = arith.index_cast %parallel_loop3A_156 : i32 to index
          %parallel_loop3A_158 = arith.index_cast %parallel_loop3A_123 : i32 to index
          %parallel_loop3A_159 = tpu.vector_load %arg10[%parallel_loop3A_157, %parallel_loop3A_158] {strides = array<i32>} : memref<32x1280xf32, #tpu.memory_space<vmem>>, vector<16xf32>,
          %parallel_loop3A_160 = arith.constant 9 : i32
          %parallel_loop3A_161 = arith.index_cast %parallel_loop3A_160 : i32 to index
          %parallel_loop3A_162 = arith.index_cast %parallel_loop3A_123 : i32 to index
          %parallel_loop3A_163 = tpu.vector_load %arg10[%parallel_loop3A_161, %parallel_loop3A_162] {strides = array<i32>} : memref<32x1280xf32, #tpu.memory_space<vmem>>, vector<16xf32>,
          %parallel_loop3A_164 = arith.constant 10 : i32
          %parallel_loop3A_165 = arith.index_cast %parallel_loop3A_164 : i32 to index
          %parallel_loop3A_166 = arith.index_cast %parallel_loop3A_123 : i32 to index
          %parallel_loop3A_167 = tpu.vector_load %arg10[%parallel_loop3A_165, %parallel_loop3A_166] {strides = array<i32>} : memref<32x1280xf32, #tpu.memory_space<vmem>>, vector<16xf32>,
          %parallel_loop3A_168 = arith.constant 11 : i32
          %parallel_loop3A_169 = arith.index_cast %parallel_loop3A_168 : i32 to index
          %parallel_loop3A_170 = arith.index_cast %parallel_loop3A_123 : i32 to index
          %parallel_loop3A_171 = tpu.vector_load %arg10[%parallel_loop3A_169, %parallel_loop3A_170] {strides = array<i32>} : memref<32x1280xf32, #tpu.memory_space<vmem>>, vector<16xf32>,
          %parallel_loop3A_172 = arith.constant 12 : i32
          %parallel_loop3A_173 = arith.index_cast %parallel_loop3A_172 : i32 to index
          %parallel_loop3A_174 = arith.index_cast %parallel_loop3A_123 : i32 to index
          %parallel_loop3A_175 = tpu.vector_load %arg10[%parallel_loop3A_173, %parallel_loop3A_174] {strides = array<i32>} : memref<32x1280xf32, #tpu.memory_space<vmem>>, vector<16xf32>,
          %parallel_loop3A_176 = arith.constant 13 : i32
          %parallel_loop3A_177 = arith.index_cast %parallel_loop3A_176 : i32 to index
          %parallel_loop3A_178 = arith.index_cast %parallel_loop3A_123 : i32 to index
          %parallel_loop3A_179 = tpu.vector_load %arg10[%parallel_loop3A_177, %parallel_loop3A_178] {strides = array<i32>} : memref<32x1280xf32, #tpu.memory_space<vmem>>, vector<16xf32>,
          %parallel_loop3A_180 = arith.constant 14 : i32
          %parallel_loop3A_181 = arith.index_cast %parallel_loop3A_180 : i32 to index
          %parallel_loop3A_182 = arith.index_cast %parallel_loop3A_123 : i32 to index
          %parallel_loop3A_183 = tpu.vector_load %arg10[%parallel_loop3A_181, %parallel_loop3A_182] {strides = array<i32>} : memref<32x1280xf32, #tpu.memory_space<vmem>>, vector<16xf32>,
          %parallel_loop3A_184 = arith.constant 15 : i32
          %parallel_loop3A_185 = arith.index_cast %parallel_loop3A_184 : i32 to index
          %parallel_loop3A_186 = arith.index_cast %parallel_loop3A_123 : i32 to index
          %parallel_loop3A_187 = tpu.vector_load %arg10[%parallel_loop3A_185, %parallel_loop3A_186] {strides = array<i32>} : memref<32x1280xf32, #tpu.memory_space<vmem>>, vector<16xf32>,
          %parallel_loop3A_188 = arith.constant 16 : i32
          %parallel_loop3A_189 = arith.index_cast %parallel_loop3A_188 : i32 to index
          %parallel_loop3A_190 = arith.index_cast %parallel_loop3A_123 : i32 to index
          %parallel_loop3A_191 = tpu.vector_load %arg10[%parallel_loop3A_189, %parallel_loop3A_190] {strides = array<i32>} : memref<32x1280xf32, #tpu.memory_space<vmem>>, vector<16xf32>,
          %parallel_loop3A_192 = arith.constant 17 : i32
          %parallel_loop3A_193 = arith.index_cast %parallel_loop3A_192 : i32 to index
          %parallel_loop3A_194 = arith.index_cast %parallel_loop3A_123 : i32 to index
          %parallel_loop3A_195 = tpu.vector_load %arg10[%parallel_loop3A_193, %parallel_loop3A_194] {strides = array<i32>} : memref<32x1280xf32, #tpu.memory_space<vmem>>, vector<16xf32>,
          %parallel_loop3A_196 = arith.constant 18 : i32
          %parallel_loop3A_197 = arith.index_cast %parallel_loop3A_196 : i32 to index
          %parallel_loop3A_198 = arith.index_cast %parallel_loop3A_123 : i32 to index
          %parallel_loop3A_199 = tpu.vector_load %arg10[%parallel_loop3A_197, %parallel_loop3A_198] {strides = array<i32>} : memref<32x1280xf32, #tpu.memory_space<vmem>>, vector<16xf32>,
          %parallel_loop3A_200 = arith.constant 19 : i32
          %parallel_loop3A_201 = arith.index_cast %parallel_loop3A_200 : i32 to index
          %parallel_loop3A_202 = arith.index_cast %parallel_loop3A_123 : i32 to index
          %parallel_loop3A_203 = tpu.vector_load %arg10[%parallel_loop3A_201, %parallel_loop3A_202] {strides = array<i32>} : memref<32x1280xf32, #tpu.memory_space<vmem>>, vector<16xf32>,
          %parallel_loop3A_204 = arith.constant 20 : i32
          %parallel_loop3A_205 = arith.index_cast %parallel_loop3A_204 : i32 to index
          %parallel_loop3A_206 = arith.index_cast %parallel_loop3A_123 : i32 to index
          %parallel_loop3A_207 = tpu.vector_load %arg10[%parallel_loop3A_205, %parallel_loop3A_206] {strides = array<i32>} : memref<32x1280xf32, #tpu.memory_space<vmem>>, vector<16xf32>,
          %parallel_loop3A_208 = arith.constant 21 : i32
          %parallel_loop3A_209 = arith.index_cast %parallel_loop3A_208 : i32 to index
          %parallel_loop3A_210 = arith.index_cast %parallel_loop3A_123 : i32 to index
          %parallel_loop3A_211 = tpu.vector_load %arg10[%parallel_loop3A_209, %parallel_loop3A_210] {strides = array<i32>} : memref<32x1280xf32, #tpu.memory_space<vmem>>, vector<16xf32>,
          %parallel_loop3A_212 = arith.constant 22 : i32
          %parallel_loop3A_213 = arith.index_cast %parallel_loop3A_212 : i32 to index
          %parallel_loop3A_214 = arith.index_cast %parallel_loop3A_123 : i32 to index
          %parallel_loop3A_215 = tpu.vector_load %arg10[%parallel_loop3A_213, %parallel_loop3A_214] {strides = array<i32>} : memref<32x1280xf32, #tpu.memory_space<vmem>>, vector<16xf32>,
          %parallel_loop3A_216 = arith.constant 23 : i32
          %parallel_loop3A_217 = arith.index_cast %parallel_loop3A_216 : i32 to index
          %parallel_loop3A_218 = arith.index_cast %parallel_loop3A_123 : i32 to index
          %parallel_loop3A_219 = tpu.vector_load %arg10[%parallel_loop3A_217, %parallel_loop3A_218] {strides = array<i32>} : memref<32x1280xf32, #tpu.memory_space<vmem>>, vector<16xf32>,
          %parallel_loop3A_220 = arith.constant 24 : i32
          %parallel_loop3A_221 = arith.index_cast %parallel_loop3A_220 : i32 to index
          %parallel_loop3A_222 = arith.index_cast %parallel_loop3A_123 : i32 to index
          %parallel_loop3A_223 = tpu.vector_load %arg10[%parallel_loop3A_221, %parallel_loop3A_222] {strides = array<i32>} : memref<32x1280xf32, #tpu.memory_space<vmem>>, vector<16xf32>,
          %parallel_loop3A_224 = arith.constant 25 : i32
          %parallel_loop3A_225 = arith.index_cast %parallel_loop3A_224 : i32 to index
          %parallel_loop3A_226 = arith.index_cast %parallel_loop3A_123 : i32 to index
          %parallel_loop3A_227 = tpu.vector_load %arg10[%parallel_loop3A_225, %parallel_loop3A_226] {strides = array<i32>} : memref<32x1280xf32, #tpu.memory_space<vmem>>, vector<16xf32>,
          %parallel_loop3A_228 = arith.constant 26 : i32
          %parallel_loop3A_229 = arith.index_cast %parallel_loop3A_228 : i32 to index
          %parallel_loop3A_230 = arith.index_cast %parallel_loop3A_123 : i32 to index
          %parallel_loop3A_231 = tpu.vector_load %arg10[%parallel_loop3A_229, %parallel_loop3A_230] {strides = array<i32>} : memref<32x1280xf32, #tpu.memory_space<vmem>>, vector<16xf32>,
          %parallel_loop3A_232 = arith.constant 27 : i32
          %parallel_loop3A_233 = arith.index_cast %parallel_loop3A_232 : i32 to index
          %parallel_loop3A_234 = arith.index_cast %parallel_loop3A_123 : i32 to index
          %parallel_loop3A_235 = tpu.vector_load %arg10[%parallel_loop3A_233, %parallel_loop3A_234] {strides = array<i32>} : memref<32x1280xf32, #tpu.memory_space<vmem>>, vector<16xf32>,
          %parallel_loop3A_236 = arith.constant 28 : i32
          %parallel_loop3A_237 = arith.index_cast %parallel_loop3A_236 : i32 to index
          %parallel_loop3A_238 = arith.index_cast %parallel_loop3A_123 : i32 to index
          %parallel_loop3A_239 = tpu.vector_load %arg10[%parallel_loop3A_237, %parallel_loop3A_238] {strides = array<i32>} : memref<32x1280xf32, #tpu.memory_space<vmem>>, vector<16xf32>,
          %parallel_loop3A_240 = arith.constant 29 : i32
          %parallel_loop3A_241 = arith.index_cast %parallel_loop3A_240 : i32 to index
          %parallel_loop3A_242 = arith.index_cast %parallel_loop3A_123 : i32 to index
          %parallel_loop3A_243 = tpu.vector_load %arg10[%parallel_loop3A_241, %parallel_loop3A_242] {strides = array<i32>} : memref<32x1280xf32, #tpu.memory_space<vmem>>, vector<16xf32>,
          %parallel_loop3A_244 = arith.constant 30 : i32
          %parallel_loop3A_245 = arith.index_cast %parallel_loop3A_244 : i32 to index
          %parallel_loop3A_246 = arith.index_cast %parallel_loop3A_123 : i32 to index
          %parallel_loop3A_247 = tpu.vector_load %arg10[%parallel_loop3A_245, %parallel_loop3A_246] {strides = array<i32>} : memref<32x1280xf32, #tpu.memory_space<vmem>>, vector<16xf32>,
          %parallel_loop3A_248 = arith.constant 31 : i32
          %parallel_loop3A_249 = arith.index_cast %parallel_loop3A_248 : i32 to index
          %parallel_loop3A_250 = arith.index_cast %parallel_loop3A_123 : i32 to index
          %parallel_loop3A_251 = tpu.vector_load %arg10[%parallel_loop3A_249, %parallel_loop3A_250] {strides = array<i32>} : memref<32x1280xf32, #tpu.memory_space<vmem>>, vector<16xf32>,
          %parallel_loop3A_252 = arith.addf %parallel_loop3A_127, %parallel_loop3A_131 : vector<16xf32>
          %parallel_loop3A_253 = arith.addf %parallel_loop3A_135, %parallel_loop3A_139 : vector<16xf32>
          %parallel_loop3A_254 = arith.addf %parallel_loop3A_143, %parallel_loop3A_147 : vector<16xf32>
          %parallel_loop3A_255 = arith.addf %parallel_loop3A_151, %parallel_loop3A_155 : vector<16xf32>
          %parallel_loop3A_256 = arith.addf %parallel_loop3A_159, %parallel_loop3A_163 : vector<16xf32>
          %parallel_loop3A_257 = arith.addf %parallel_loop3A_167, %parallel_loop3A_171 : vector<16xf32>
          %parallel_loop3A_258 = arith.addf %parallel_loop3A_175, %parallel_loop3A_179 : vector<16xf32>
          %parallel_loop3A_259 = arith.addf %parallel_loop3A_183, %parallel_loop3A_187 : vector<16xf32>
          %parallel_loop3A_260 = arith.addf %parallel_loop3A_191, %parallel_loop3A_195 : vector<16xf32>
          %parallel_loop3A_261 = arith.addf %parallel_loop3A_199, %parallel_loop3A_203 : vector<16xf32>
          %parallel_loop3A_262 = arith.addf %parallel_loop3A_207, %parallel_loop3A_211 : vector<16xf32>
          %parallel_loop3A_263 = arith.addf %parallel_loop3A_215, %parallel_loop3A_219 : vector<16xf32>
          %parallel_loop3A_264 = arith.addf %parallel_loop3A_223, %parallel_loop3A_227 : vector<16xf32>
          %parallel_loop3A_265 = arith.addf %parallel_loop3A_231, %parallel_loop3A_235 : vector<16xf32>
          %parallel_loop3A_266 = arith.addf %parallel_loop3A_239, %parallel_loop3A_243 : vector<16xf32>
          %parallel_loop3A_267 = arith.addf %parallel_loop3A_247, %parallel_loop3A_251 : vector<16xf32>
          %parallel_loop3A_268 = arith.addf %parallel_loop3A_252, %parallel_loop3A_253 : vector<16xf32>
          %parallel_loop3A_269 = arith.addf %parallel_loop3A_254, %parallel_loop3A_255 : vector<16xf32>
          %parallel_loop3A_270 = arith.addf %parallel_loop3A_256, %parallel_loop3A_257 : vector<16xf32>
          %parallel_loop3A_271 = arith.addf %parallel_loop3A_258, %parallel_loop3A_259 : vector<16xf32>
          %parallel_loop3A_272 = arith.addf %parallel_loop3A_260, %parallel_loop3A_261 : vector<16xf32>
          %parallel_loop3A_273 = arith.addf %parallel_loop3A_262, %parallel_loop3A_263 : vector<16xf32>
          %parallel_loop3A_274 = arith.addf %parallel_loop3A_264, %parallel_loop3A_265 : vector<16xf32>
          %parallel_loop3A_275 = arith.addf %parallel_loop3A_266, %parallel_loop3A_267 : vector<16xf32>
          %parallel_loop3A_276 = arith.addf %parallel_loop3A_268, %parallel_loop3A_269 : vector<16xf32>
          %parallel_loop3A_277 = arith.addf %parallel_loop3A_270, %parallel_loop3A_271 : vector<16xf32>
          %parallel_loop3A_278 = arith.addf %parallel_loop3A_272, %parallel_loop3A_273 : vector<16xf32>
          %parallel_loop3A_279 = arith.addf %parallel_loop3A_274, %parallel_loop3A_275 : vector<16xf32>
          %parallel_loop3A_280 = arith.addf %parallel_loop3A_276, %parallel_loop3A_277 : vector<16xf32>
          %parallel_loop3A_281 = arith.addf %parallel_loop3A_278, %parallel_loop3A_279 : vector<16xf32>
          %parallel_loop3A_282 = arith.addf %parallel_loop3A_280, %parallel_loop3A_281 : vector<16xf32>
          %parallel_loop3A_283 = arith.index_cast %squeeze3A_82 : i32 to index
          %parallel_loop3A_284 = arith.index_cast %parallel_loop3A_123 : i32 to index
          %parallel_loop3A_285 = tpu.vector_load %arg7[%parallel_loop3A_283, %parallel_loop3A_284] {strides = array<i32>} : memref<16x1280xf32, #tpu.memory_space<vmem>>, vector<16xf32>,
          tpu.vector_store %arg7[%parallel_loop3A_283, %parallel_loop3A_284], %parallel_loop3A_282 {add = true, strides = array<i32>} : memref<16x1280xf32, #tpu.memory_space<vmem>>, vector<16xf32>,
        } {sc.loop_unroll_factor = 1 : i64, sc.parallel_access}
        %get3A_112 = arith.constant 0 : index
        %get3A_113 = tpu.vector_load %arg8[%get3A_112] {strides = array<i32>} : memref<16xf32, #tpu.memory_space<vmem>>, vector<16xf32>,
        %eq3A_114 = arith.cmpi eq, %iota3A, %broadcast_in_dim3A_83 : vector<16xi32>
        %jit3A = arith.constant 3.200000e+01 : f32
        %jit3A_115 = arith.constant 0.000000e+00 : f32
        %broadcast_in_dim3A_116 = vector.broadcast %jit3A : f32 to vector<16xf32>
        %broadcast_in_dim3A_117 = vector.broadcast %jit3A_115 : f32 to vector<16xf32>
        %select_n3A = arith.select %eq3A_114, %broadcast_in_dim3A_116, %broadcast_in_dim3A_117 : vector<16xi1>, vector<16xf32>
        %add3A_118 = arith.addf %get3A_113, %select_n3A : vector<16xf32>
        %swap3A_119 = arith.constant 0 : index
        %swap3A_120 = tpu.vector_load %arg8[%swap3A_119] {strides = array<i32>} : memref<16xf32, #tpu.memory_space<vmem>>, vector<16xf32>,
        tpu.vector_store %arg8[%swap3A_119], %add3A_118 {strides = array<i32>} : memref<16xf32, #tpu.memory_space<vmem>>, vector<16xf32>,
      } else {
        %scan3A_109 = arith.constant 0 : i32
        %scan3A_110 = arith.constant 0 : i32
        %scan3A_111 = arith.constant 32 : i32
        %scan3A_112 = arith.addi %scan3A_110, %scan3A_111 : i32
        %scan3A_113 = arith.constant 1 : i32
        %scan3A_114 = scf.for %scan3A_116 = %scan3A_110 to %scan3A_112 step %scan3A_113 iter_args(%scan3A_117 = %scan3A_109) -> (i32)  : i32 {
          %add3A_118 = arith.addi %mul3A_74, %scan3A_116 : i32
          %get3A_119 = arith.index_cast %add3A_118 : i32 to index
          %get3A_120 = tpu.vector_load %arg6[%get3A_119] {strides = array<i32>} : memref<336xi32, #tpu.memory_space<vmem>>, vector<16xi32>,
          %slice3A_121 = vector.extract_strided_slice %get3A_120 {offsets = [0], sizes = [1], strides = [1]} : vector<16xi32> to vector<1xi32>
          %squeeze3A_122 = vector.extract %slice3A_121[0] : i32 from vector<1xi32>
          %parallel_loop3A_123 = arith.constant 0 : i32
          %parallel_loop3A_124 = arith.constant 80 : i32
          %parallel_loop3A_125 = arith.constant 1 : i32
          scf.for %parallel_loop3A_137 = %parallel_loop3A_123 to %parallel_loop3A_124 step %parallel_loop3A_125  : i32 {
            %parallel_loop3A_138 = arith.constant 16 : i32
            %parallel_loop3A_139 = arith.muli %parallel_loop3A_137, %parallel_loop3A_138 : i32
            %parallel_loop3A_140 = arith.index_cast %scan3A_116 : i32 to index
            %parallel_loop3A_141 = arith.index_cast %parallel_loop3A_139 : i32 to index
            %parallel_loop3A_142 = tpu.vector_load %arg10[%parallel_loop3A_140, %parallel_loop3A_141] {strides = array<i32>} : memref<32x1280xf32, #tpu.memory_space<vmem>>, vector<16xf32>,
            %parallel_loop3A_143 = arith.index_cast %squeeze3A_122 : i32 to index
            %parallel_loop3A_144 = arith.index_cast %parallel_loop3A_139 : i32 to index
            %parallel_loop3A_145 = tpu.vector_load %arg7[%parallel_loop3A_143, %parallel_loop3A_144] {strides = array<i32>} : memref<16x1280xf32, #tpu.memory_space<vmem>>, vector<16xf32>,
            tpu.vector_store %arg7[%parallel_loop3A_143, %parallel_loop3A_144], %parallel_loop3A_142 {add = true, strides = array<i32>} : memref<16x1280xf32, #tpu.memory_space<vmem>>, vector<16xf32>,
          } {sc.loop_unroll_factor = 1 : i64, sc.parallel_access}
          %get3A_126 = arith.constant 0 : index
          %get3A_127 = tpu.vector_load %arg8[%get3A_126] {strides = array<i32>} : memref<16xf32, #tpu.memory_space<vmem>>, vector<16xf32>,
          %broadcast_in_dim3A_128 = vector.broadcast %squeeze3A_122 : i32 to vector<16xi32>
          %eq3A_129 = arith.cmpi eq, %iota3A, %broadcast_in_dim3A_128 : vector<16xi32>
          %jit3A = arith.constant 1.000000e+00 : f32
          %jit3A_130 = arith.constant 0.000000e+00 : f32
          %broadcast_in_dim3A_131 = vector.broadcast %jit3A : f32 to vector<16xf32>
          %broadcast_in_dim3A_132 = vector.broadcast %jit3A_130 : f32 to vector<16xf32>
          %select_n3A = arith.select %eq3A_129, %broadcast_in_dim3A_131, %broadcast_in_dim3A_132 : vector<16xi1>, vector<16xf32>
          %add3A_133 = arith.addf %get3A_127, %select_n3A : vector<16xf32>
          %swap3A_134 = arith.constant 0 : index
          %swap3A_135 = tpu.vector_load %arg8[%swap3A_134] {strides = array<i32>} : memref<16xf32, #tpu.memory_space<vmem>>, vector<16xf32>,
          tpu.vector_store %arg8[%swap3A_134], %add3A_133 {strides = array<i32>} : memref<16xf32, #tpu.memory_space<vmem>>, vector<16xf32>,
          %scan3A_136 = arith.constant 0 : i32
          scf.yield %scan3A_136 : i32
        }
        %scan3A_115 = arith.constant 32 : i32
      }
      %add3A_101 = arith.constant 2 : i32
      %add3A_102 = arith.addi %add3A_65, %add3A_101 : i32
      %lt3A_103 = arith.constant 10 : i32
      %lt3A_104 = arith.cmpi slt, %add3A_102, %lt3A_103 : i32
      %convert_element_type3A_105 = arith.extui %lt3A_104 : i1 to i32
      %cond3A_106 = arith.constant 0 : i32
      %cond3A_107 = arith.cmpi ne, %convert_element_type3A_105, %cond3A_106 : i32
      scf.if %cond3A_107 {
        %add3A_109 = arith.constant 2 : i32
        %add3A_110 = arith.addi %add3A_65, %add3A_109 : i32
        %mul3A_111 = arith.constant 32 : i32
        %mul3A_112 = arith.muli %add3A_110, %mul3A_111 : i32
        %add3A_113 = arith.addi %mul3A_2, %mul3A_112 : i32
        %dma_start3A_114 = arith.constant 0 : i32
        %dma_start3A_115 = tpu.memref_slice %arg2[%add3A_113, %dma_start3A_114] : memref<32768x1280xf32, #tpu.memory_space<hbm>> -> memref<32x1280xf32, #tpu.memory_space<hbm>>
        %dma_start3A_116 = arith.constant 0 : i32
        %dma_start3A_117 = tpu.memref_slice %arg2[%add3A_113, %dma_start3A_116] : memref<32768x1280xf32, #tpu.memory_space<hbm>> -> memref<32x1280xf32, #tpu.memory_space<hbm>>
        tpu.enqueue_dma source(%dma_start3A_117 : memref<32x1280xf32, #tpu.memory_space<hbm>>) target(%arg10 : memref<32x1280xf32, #tpu.memory_space<vmem>>) target_semaphore(%arg12 : memref<!tpu.dma_semaphore, #tpu.memory_space<semaphore_mem>>)
      } else {
      }
      %scan3A_108 = arith.constant 0 : i32
      scf.yield %scan3A_108 : i32
    }
    %scan3A_21 = arith.constant 5 : i32
    %mul3A_22 = arith.constant 16 : i32
    %mul3A_23 = arith.muli %add3A, %mul3A_22 : i32
    "tpu.region"() ({
      %run_scoped3A = tpu.sem_alloc : memref<!tpu.dma_semaphore, #tpu.memory_space<semaphore_mem>>
      %dma_start3A_24 = arith.constant 0 : i32
      %dma_start3A_25 = tpu.memref_slice %arg4[%mul3A_23, %dma_start3A_24] : memref<512x1280xf32, #tpu.memory_space<hbm>> -> memref<16x1280xf32, #tpu.memory_space<hbm>>
      %dma_start3A_26 = arith.constant 0 : i32
      %dma_start3A_27 = tpu.memref_slice %arg4[%mul3A_23, %dma_start3A_26] : memref<512x1280xf32, #tpu.memory_space<hbm>> -> memref<16x1280xf32, #tpu.memory_space<hbm>>
      tpu.enqueue_dma source(%arg7 : memref<16x1280xf32, #tpu.memory_space<vmem>>) target(%dma_start3A_27 : memref<16x1280xf32, #tpu.memory_space<hbm>>) target_semaphore(%run_scoped3A : memref<!tpu.dma_semaphore, #tpu.memory_space<semaphore_mem>>)
      %dma_wait3A = arith.constant 0 : i32
      %dma_wait3A_28 = tpu.memref_slice %arg4[%mul3A_23, %dma_wait3A] : memref<512x1280xf32, #tpu.memory_space<hbm>> -> memref<16x1280xf32, #tpu.memory_space<hbm>>
      %dma_wait3A_29 = arith.constant 0 : i32
      %dma_wait3A_30 = tpu.memref_slice %arg4[%mul3A_23, %dma_wait3A_29] : memref<512x1280xf32, #tpu.memory_space<hbm>> -> memref<16x1280xf32, #tpu.memory_space<hbm>>
      tpu.wait_dma2 semaphore(%run_scoped3A : memref<!tpu.dma_semaphore, #tpu.memory_space<semaphore_mem>>) src(%arg7 : memref<16x1280xf32, #tpu.memory_space<vmem>>) dst(%dma_wait3A_30 : memref<16x1280xf32, #tpu.memory_space<hbm>>)
      tpu.yield
    }) : () -> ()
    "tpu.region"() ({
      %run_scoped3A = tpu.sem_alloc : memref<!tpu.dma_semaphore, #tpu.memory_space<semaphore_mem>>
      %dma_start3A_24 = arith.constant 0 : i32
      %dma_start3A_25 = tpu.memref_slice %arg5[%add3A, %dma_start3A_24] : memref<32x16xf32, #tpu.memory_space<hbm>> -> memref<1x16xf32, #tpu.memory_space<hbm>>
      %dma_start3A_26 = tpu.memref_squeeze %dma_start3A_25 : memref<1x16xf32, #tpu.memory_space<hbm>> -> memref<16xf32, #tpu.memory_space<hbm>>
      %dma_start3A_27 = arith.constant 0 : i32
      %dma_start3A_28 = tpu.memref_slice %arg5[%add3A, %dma_start3A_27] : memref<32x16xf32, #tpu.memory_space<hbm>> -> memref<1x16xf32, #tpu.memory_space<hbm>>
      %dma_start3A_29 = tpu.memref_squeeze %dma_start3A_28 : memref<1x16xf32, #tpu.memory_space<hbm>> -> memref<16xf32, #tpu.memory_space<hbm>>
      tpu.enqueue_dma source(%arg8 : memref<16xf32, #tpu.memory_space<vmem>>) target(%dma_start3A_29 : memref<16xf32, #tpu.memory_space<hbm>>) target_semaphore(%run_scoped3A : memref<!tpu.dma_semaphore, #tpu.memory_space<semaphore_mem>>)
      %dma_wait3A = arith.constant 0 : i32
      %dma_wait3A_30 = tpu.memref_slice %arg5[%add3A, %dma_wait3A] : memref<32x16xf32, #tpu.memory_space<hbm>> -> memref<1x16xf32, #tpu.memory_space<hbm>>
      %dma_wait3A_31 = tpu.memref_squeeze %dma_wait3A_30 : memref<1x16xf32, #tpu.memory_space<hbm>> -> memref<16xf32, #tpu.memory_space<hbm>>
      %dma_wait3A_32 = arith.constant 0 : i32
      %dma_wait3A_33 = tpu.memref_slice %arg5[%add3A, %dma_wait3A_32] : memref<32x16xf32, #tpu.memory_space<hbm>> -> memref<1x16xf32, #tpu.memory_space<hbm>>
      %dma_wait3A_34 = tpu.memref_squeeze %dma_wait3A_33 : memref<1x16xf32, #tpu.memory_space<hbm>> -> memref<16xf32, #tpu.memory_space<hbm>>
      tpu.wait_dma2 semaphore(%run_scoped3A : memref<!tpu.dma_semaphore, #tpu.memory_space<semaphore_mem>>) src(%arg8 : memref<16xf32, #tpu.memory_space<vmem>>) dst(%dma_wait3A_34 : memref<16xf32, #tpu.memory_space<hbm>>)
      tpu.yield
    }) : () -> ()
    return
  }
}

module attributes {stable_mosaic.version = 14 : i64} {
  func.func @_tc_seg_kernel(%arg0: i32, %arg1: memref<2048x1280xf32, #tpu.memory_space<vmem>>, %arg2: memref<16x128xi32, #tpu.memory_space<vmem>>, %arg3: memref<16x1280xf32, #tpu.memory_space<vmem>>, %arg4: memref<16x1xf32, #tpu.memory_space<vmem>>) attributes {dimension_semantics = [#tpu.dimension_semantics<arbitrary>], iteration_bounds = array<i64: 11>, scalar_prefetch = 0 : i64, scratch_operands = 0 : i64, tpu.core_type = #tpu.core_type<tc>, window_params = [{transform_indices = @transform_0, window_bounds = array<i64: 2048, 1280>}, {transform_indices = @transform_1, window_bounds = array<i64: 16, 128>}, {pipeline_mode = #tpu.pipeline_mode<synchronous>, transform_indices = @transform_2, window_bounds = array<i64: 16, 1280>}, {pipeline_mode = #tpu.pipeline_mode<synchronous>, transform_indices = @transform_3, window_bounds = array<i64: 16, 1>}]} {
    %eq3A = arith.constant 0 : i32
    %eq3A_0 = arith.cmpi eq, %arg0, %eq3A : i32
    %convert_element_type3A = arith.extui %eq3A_0 : i1 to i32
    %cond3A = arith.constant 0 : i32
    %cond3A_1 = arith.cmpi ne, %convert_element_type3A, %cond3A : i32
    scf.if %cond3A_1 {
      %broadcast_in_dim3A_25 = arith.constant 0.000000e+00 : f32
      %broadcast_in_dim3A_26 = vector.broadcast %broadcast_in_dim3A_25 : f32 to vector<16x1280xf32>
      %swap3A_27 = arith.constant 0 : index
      %swap3A_28 = arith.constant 0 : index
      %swap3A_29 = vector.load %arg3[%swap3A_27, %swap3A_28] : memref<16x1280xf32, #tpu.memory_space<vmem>>, vector<16x1280xf32>
      tpu.vector_store %arg3[%swap3A_27, %swap3A_28], %broadcast_in_dim3A_26 {strides = array<i32>} : memref<16x1280xf32, #tpu.memory_space<vmem>>, vector<16x1280xf32>,
      %broadcast_in_dim3A_30 = arith.constant 0.000000e+00 : f32
      %broadcast_in_dim3A_31 = vector.broadcast %broadcast_in_dim3A_30 : f32 to vector<16x1xf32>
      %swap3A_32 = arith.constant 0 : index
      %swap3A_33 = arith.constant 0 : index
      %swap3A_34 = vector.load %arg4[%swap3A_32, %swap3A_33] : memref<16x1xf32, #tpu.memory_space<vmem>>, vector<16x1xf32>
      tpu.vector_store %arg4[%swap3A_32, %swap3A_33], %broadcast_in_dim3A_31 {strides = array<i32>} : memref<16x1xf32, #tpu.memory_space<vmem>>, vector<16x1xf32>,
    } else {
    }
    %get3A = arith.constant 0 : index
    %get3A_2 = arith.constant 0 : index
    %get3A_3 = vector.load %arg2[%get3A, %get3A_2] : memref<16x128xi32, #tpu.memory_space<vmem>>, vector<16x128xi32>
    %reshape3A = vector.shape_cast %get3A_3 : vector<16x128xi32> to vector<1x2048xi32>
    %iota3A = tpu.iota {dimensions = array<i32: 0>} : vector<16x2048xi32>
    %eq3A_4 = vector.broadcast %reshape3A : vector<1x2048xi32> to vector<16x2048xi32>
    %eq3A_5 = arith.cmpi eq, %iota3A, %eq3A_4 : vector<16x2048xi32>
    %convert_element_type3A_6 = arith.extui %eq3A_5 : vector<16x2048xi1> to vector<16x2048xi32>
    %convert_element_type3A_7 = arith.sitofp %convert_element_type3A_6 : vector<16x2048xi32> to vector<16x2048xf32>
    %get3A_8 = arith.constant 0 : index
    %get3A_9 = arith.constant 0 : index
    %get3A_10 = vector.load %arg3[%get3A_8, %get3A_9] : memref<16x1280xf32, #tpu.memory_space<vmem>>, vector<16x1280xf32>
    %get3A_11 = arith.constant 0 : index
    %get3A_12 = arith.constant 0 : index
    %get3A_13 = vector.load %arg1[%get3A_11, %get3A_12] : memref<2048x1280xf32, #tpu.memory_space<vmem>>, vector<2048x1280xf32>
    %dot_general3A = arith.constant dense<0.000000e+00> : vector<16x1280xf32>
    %dot_general3A_14 = tpu.matmul %convert_element_type3A_7, %get3A_13, %dot_general3A {dimension_numbers = #tpu.dot_dimension_numbers<[1], [0], [0], [1], [0, 0, 1, 1], [], []>, transpose_lhs_hint = false} : vector<16x2048xf32>, vector<2048x1280xf32>, vector<16x1280xf32> -> vector<16x1280xf32>
    %add3A = arith.addf %get3A_10, %dot_general3A_14 : vector<16x1280xf32>
    %swap3A = arith.constant 0 : index
    %swap3A_15 = arith.constant 0 : index
    %swap3A_16 = vector.load %arg3[%swap3A, %swap3A_15] : memref<16x1280xf32, #tpu.memory_space<vmem>>, vector<16x1280xf32>
    tpu.vector_store %arg3[%swap3A, %swap3A_15], %add3A {strides = array<i32>} : memref<16x1280xf32, #tpu.memory_space<vmem>>, vector<16x1280xf32>,
    %get3A_17 = arith.constant 0 : index
    %get3A_18 = arith.constant 0 : index
    %get3A_19 = vector.load %arg4[%get3A_17, %get3A_18] : memref<16x1xf32, #tpu.memory_space<vmem>>, vector<16x1xf32>
    %reduce_sum3A = arith.constant dense<0.000000e+00> : vector<16xf32>
    %reduce_sum3A_20 = vector.multi_reduction <add>, %convert_element_type3A_7, %reduce_sum3A [1] : vector<16x2048xf32> to vector<16xf32>
    %broadcast_in_dim3A = vector.shape_cast %reduce_sum3A_20 : vector<16xf32> to vector<16x1xf32>
    %add3A_21 = arith.addf %get3A_19, %broadcast_in_dim3A : vector<16x1xf32>
    %swap3A_22 = arith.constant 0 : index
    %swap3A_23 = arith.constant 0 : index
    %swap3A_24 = vector.load %arg4[%swap3A_22, %swap3A_23] : memref<16x1xf32, #tpu.memory_space<vmem>>, vector<16x1xf32>
    tpu.vector_store %arg4[%swap3A_22, %swap3A_23], %add3A_21 {strides = array<i32>} : memref<16x1xf32, #tpu.memory_space<vmem>>, vector<16x1xf32>,
    return
  }
  func.func @transform_0(%arg0: i32) -> (i32, i32) {
    %add3A = arith.constant 5 : i32
    %add3A_0 = arith.addi %arg0, %add3A : i32
    %c0_i32 = arith.constant 0 : i32
    %c0_i32_1 = arith.constant 0 : i32
    return %add3A_0, %c0_i32 : i32, i32
  }
  func.func @transform_1(%arg0: i32) -> (i32, i32) {
    %add3A = arith.constant 5 : i32
    %add3A_0 = arith.addi %arg0, %add3A : i32
    %c0_i32 = arith.constant 0 : i32
    %c0_i32_1 = arith.constant 0 : i32
    return %add3A_0, %c0_i32 : i32, i32
  }
  func.func @transform_2(%arg0: i32) -> (i32, i32) {
    %c0_i32 = arith.constant 0 : i32
    %c0_i32_0 = arith.constant 0 : i32
    %c0_i32_1 = arith.constant 0 : i32
    return %c0_i32, %c0_i32_0 : i32, i32
  }
  func.func @transform_3(%arg0: i32) -> (i32, i32) {
    %c0_i32 = arith.constant 0 : i32
    %c0_i32_0 = arith.constant 0 : i32
    %c0_i32_1 = arith.constant 0 : i32
    return %c0_i32, %c0_i32_0 : i32, i32
  }
}

module attributes {stable_mosaic.version = 14 : i64} {
  func.func @_head_kernel(%arg0: memref<512x1280xf32, #tpu.memory_space<vmem>>, %arg1: memref<32x16xf32, #tpu.memory_space<vmem>>, %arg2: memref<16x1280xf32, #tpu.memory_space<vmem>>, %arg3: memref<16x1xf32, #tpu.memory_space<vmem>>, %arg4: memref<16x128xf32, #tpu.memory_space<vmem>>, %arg5: memref<1280x128xf32, #tpu.memory_space<vmem>>, %arg6: memref<1x128xf32, #tpu.memory_space<vmem>>, %arg7: memref<1x256xf32, #tpu.memory_space<vmem>>, %arg8: memref<1x1xf32, #tpu.memory_space<vmem>>, %arg9: memref<16x1xf32, #tpu.memory_space<vmem>>, %arg10: memref<16x128xf32, #tpu.memory_space<vmem>>) attributes {dimension_semantics = [], scalar_prefetch = 0 : i64, scratch_operands = 0 : i64, tpu.core_type = #tpu.core_type<tc>} {
    %get3A = arith.constant 0 : index
    %get3A_0 = arith.constant 0 : index
    %get3A_1 = vector.load %arg2[%get3A, %get3A_0] : memref<16x1280xf32, #tpu.memory_space<vmem>>, vector<16x1280xf32>
    %get3A_2 = arith.constant 0 : index
    %get3A_3 = arith.constant 0 : index
    %get3A_4 = vector.load %arg0[%get3A_2, %get3A_3] : memref<512x1280xf32, #tpu.memory_space<vmem>>, vector<16x1280xf32>
    %add3A = arith.addf %get3A_1, %get3A_4 : vector<16x1280xf32>
    %get3A_5 = arith.constant 16 : index
    %get3A_6 = arith.constant 0 : index
    %get3A_7 = vector.load %arg0[%get3A_5, %get3A_6] : memref<512x1280xf32, #tpu.memory_space<vmem>>, vector<16x1280xf32>
    %add3A_8 = arith.addf %add3A, %get3A_7 : vector<16x1280xf32>
    %get3A_9 = arith.constant 32 : index
    %get3A_10 = arith.constant 0 : index
    %get3A_11 = vector.load %arg0[%get3A_9, %get3A_10] : memref<512x1280xf32, #tpu.memory_space<vmem>>, vector<16x1280xf32>
    %add3A_12 = arith.addf %add3A_8, %get3A_11 : vector<16x1280xf32>
    %get3A_13 = arith.constant 48 : index
    %get3A_14 = arith.constant 0 : index
    %get3A_15 = vector.load %arg0[%get3A_13, %get3A_14] : memref<512x1280xf32, #tpu.memory_space<vmem>>, vector<16x1280xf32>
    %add3A_16 = arith.addf %add3A_12, %get3A_15 : vector<16x1280xf32>
    %get3A_17 = arith.constant 64 : index
    %get3A_18 = arith.constant 0 : index
    %get3A_19 = vector.load %arg0[%get3A_17, %get3A_18] : memref<512x1280xf32, #tpu.memory_space<vmem>>, vector<16x1280xf32>
    %add3A_20 = arith.addf %add3A_16, %get3A_19 : vector<16x1280xf32>
    %get3A_21 = arith.constant 80 : index
    %get3A_22 = arith.constant 0 : index
    %get3A_23 = vector.load %arg0[%get3A_21, %get3A_22] : memref<512x1280xf32, #tpu.memory_space<vmem>>, vector<16x1280xf32>
    %add3A_24 = arith.addf %add3A_20, %get3A_23 : vector<16x1280xf32>
    %get3A_25 = arith.constant 96 : index
    %get3A_26 = arith.constant 0 : index
    %get3A_27 = vector.load %arg0[%get3A_25, %get3A_26] : memref<512x1280xf32, #tpu.memory_space<vmem>>, vector<16x1280xf32>
    %add3A_28 = arith.addf %add3A_24, %get3A_27 : vector<16x1280xf32>
    %get3A_29 = arith.constant 112 : index
    %get3A_30 = arith.constant 0 : index
    %get3A_31 = vector.load %arg0[%get3A_29, %get3A_30] : memref<512x1280xf32, #tpu.memory_space<vmem>>, vector<16x1280xf32>
    %add3A_32 = arith.addf %add3A_28, %get3A_31 : vector<16x1280xf32>
    %get3A_33 = arith.constant 128 : index
    %get3A_34 = arith.constant 0 : index
    %get3A_35 = vector.load %arg0[%get3A_33, %get3A_34] : memref<512x1280xf32, #tpu.memory_space<vmem>>, vector<16x1280xf32>
    %add3A_36 = arith.addf %add3A_32, %get3A_35 : vector<16x1280xf32>
    %get3A_37 = arith.constant 144 : index
    %get3A_38 = arith.constant 0 : index
    %get3A_39 = vector.load %arg0[%get3A_37, %get3A_38] : memref<512x1280xf32, #tpu.memory_space<vmem>>, vector<16x1280xf32>
    %add3A_40 = arith.addf %add3A_36, %get3A_39 : vector<16x1280xf32>
    %get3A_41 = arith.constant 160 : index
    %get3A_42 = arith.constant 0 : index
    %get3A_43 = vector.load %arg0[%get3A_41, %get3A_42] : memref<512x1280xf32, #tpu.memory_space<vmem>>, vector<16x1280xf32>
    %add3A_44 = arith.addf %add3A_40, %get3A_43 : vector<16x1280xf32>
    %get3A_45 = arith.constant 176 : index
    %get3A_46 = arith.constant 0 : index
    %get3A_47 = vector.load %arg0[%get3A_45, %get3A_46] : memref<512x1280xf32, #tpu.memory_space<vmem>>, vector<16x1280xf32>
    %add3A_48 = arith.addf %add3A_44, %get3A_47 : vector<16x1280xf32>
    %get3A_49 = arith.constant 192 : index
    %get3A_50 = arith.constant 0 : index
    %get3A_51 = vector.load %arg0[%get3A_49, %get3A_50] : memref<512x1280xf32, #tpu.memory_space<vmem>>, vector<16x1280xf32>
    %add3A_52 = arith.addf %add3A_48, %get3A_51 : vector<16x1280xf32>
    %get3A_53 = arith.constant 208 : index
    %get3A_54 = arith.constant 0 : index
    %get3A_55 = vector.load %arg0[%get3A_53, %get3A_54] : memref<512x1280xf32, #tpu.memory_space<vmem>>, vector<16x1280xf32>
    %add3A_56 = arith.addf %add3A_52, %get3A_55 : vector<16x1280xf32>
    %get3A_57 = arith.constant 224 : index
    %get3A_58 = arith.constant 0 : index
    %get3A_59 = vector.load %arg0[%get3A_57, %get3A_58] : memref<512x1280xf32, #tpu.memory_space<vmem>>, vector<16x1280xf32>
    %add3A_60 = arith.addf %add3A_56, %get3A_59 : vector<16x1280xf32>
    %get3A_61 = arith.constant 240 : index
    %get3A_62 = arith.constant 0 : index
    %get3A_63 = vector.load %arg0[%get3A_61, %get3A_62] : memref<512x1280xf32, #tpu.memory_space<vmem>>, vector<16x1280xf32>
    %add3A_64 = arith.addf %add3A_60, %get3A_63 : vector<16x1280xf32>
    %get3A_65 = arith.constant 256 : index
    %get3A_66 = arith.constant 0 : index
    %get3A_67 = vector.load %arg0[%get3A_65, %get3A_66] : memref<512x1280xf32, #tpu.memory_space<vmem>>, vector<16x1280xf32>
    %add3A_68 = arith.addf %add3A_64, %get3A_67 : vector<16x1280xf32>
    %get3A_69 = arith.constant 272 : index
    %get3A_70 = arith.constant 0 : index
    %get3A_71 = vector.load %arg0[%get3A_69, %get3A_70] : memref<512x1280xf32, #tpu.memory_space<vmem>>, vector<16x1280xf32>
    %add3A_72 = arith.addf %add3A_68, %get3A_71 : vector<16x1280xf32>
    %get3A_73 = arith.constant 288 : index
    %get3A_74 = arith.constant 0 : index
    %get3A_75 = vector.load %arg0[%get3A_73, %get3A_74] : memref<512x1280xf32, #tpu.memory_space<vmem>>, vector<16x1280xf32>
    %add3A_76 = arith.addf %add3A_72, %get3A_75 : vector<16x1280xf32>
    %get3A_77 = arith.constant 304 : index
    %get3A_78 = arith.constant 0 : index
    %get3A_79 = vector.load %arg0[%get3A_77, %get3A_78] : memref<512x1280xf32, #tpu.memory_space<vmem>>, vector<16x1280xf32>
    %add3A_80 = arith.addf %add3A_76, %get3A_79 : vector<16x1280xf32>
    %get3A_81 = arith.constant 320 : index
    %get3A_82 = arith.constant 0 : index
    %get3A_83 = vector.load %arg0[%get3A_81, %get3A_82] : memref<512x1280xf32, #tpu.memory_space<vmem>>, vector<16x1280xf32>
    %add3A_84 = arith.addf %add3A_80, %get3A_83 : vector<16x1280xf32>
    %get3A_85 = arith.constant 336 : index
    %get3A_86 = arith.constant 0 : index
    %get3A_87 = vector.load %arg0[%get3A_85, %get3A_86] : memref<512x1280xf32, #tpu.memory_space<vmem>>, vector<16x1280xf32>
    %add3A_88 = arith.addf %add3A_84, %get3A_87 : vector<16x1280xf32>
    %get3A_89 = arith.constant 352 : index
    %get3A_90 = arith.constant 0 : index
    %get3A_91 = vector.load %arg0[%get3A_89, %get3A_90] : memref<512x1280xf32, #tpu.memory_space<vmem>>, vector<16x1280xf32>
    %add3A_92 = arith.addf %add3A_88, %get3A_91 : vector<16x1280xf32>
    %get3A_93 = arith.constant 368 : index
    %get3A_94 = arith.constant 0 : index
    %get3A_95 = vector.load %arg0[%get3A_93, %get3A_94] : memref<512x1280xf32, #tpu.memory_space<vmem>>, vector<16x1280xf32>
    %add3A_96 = arith.addf %add3A_92, %get3A_95 : vector<16x1280xf32>
    %get3A_97 = arith.constant 384 : index
    %get3A_98 = arith.constant 0 : index
    %get3A_99 = vector.load %arg0[%get3A_97, %get3A_98] : memref<512x1280xf32, #tpu.memory_space<vmem>>, vector<16x1280xf32>
    %add3A_100 = arith.addf %add3A_96, %get3A_99 : vector<16x1280xf32>
    %get3A_101 = arith.constant 400 : index
    %get3A_102 = arith.constant 0 : index
    %get3A_103 = vector.load %arg0[%get3A_101, %get3A_102] : memref<512x1280xf32, #tpu.memory_space<vmem>>, vector<16x1280xf32>
    %add3A_104 = arith.addf %add3A_100, %get3A_103 : vector<16x1280xf32>
    %get3A_105 = arith.constant 416 : index
    %get3A_106 = arith.constant 0 : index
    %get3A_107 = vector.load %arg0[%get3A_105, %get3A_106] : memref<512x1280xf32, #tpu.memory_space<vmem>>, vector<16x1280xf32>
    %add3A_108 = arith.addf %add3A_104, %get3A_107 : vector<16x1280xf32>
    %get3A_109 = arith.constant 432 : index
    %get3A_110 = arith.constant 0 : index
    %get3A_111 = vector.load %arg0[%get3A_109, %get3A_110] : memref<512x1280xf32, #tpu.memory_space<vmem>>, vector<16x1280xf32>
    %add3A_112 = arith.addf %add3A_108, %get3A_111 : vector<16x1280xf32>
    %get3A_113 = arith.constant 448 : index
    %get3A_114 = arith.constant 0 : index
    %get3A_115 = vector.load %arg0[%get3A_113, %get3A_114] : memref<512x1280xf32, #tpu.memory_space<vmem>>, vector<16x1280xf32>
    %add3A_116 = arith.addf %add3A_112, %get3A_115 : vector<16x1280xf32>
    %get3A_117 = arith.constant 464 : index
    %get3A_118 = arith.constant 0 : index
    %get3A_119 = vector.load %arg0[%get3A_117, %get3A_118] : memref<512x1280xf32, #tpu.memory_space<vmem>>, vector<16x1280xf32>
    %add3A_120 = arith.addf %add3A_116, %get3A_119 : vector<16x1280xf32>
    %get3A_121 = arith.constant 480 : index
    %get3A_122 = arith.constant 0 : index
    %get3A_123 = vector.load %arg0[%get3A_121, %get3A_122] : memref<512x1280xf32, #tpu.memory_space<vmem>>, vector<16x1280xf32>
    %add3A_124 = arith.addf %add3A_120, %get3A_123 : vector<16x1280xf32>
    %get3A_125 = arith.constant 496 : index
    %get3A_126 = arith.constant 0 : index
    %get3A_127 = vector.load %arg0[%get3A_125, %get3A_126] : memref<512x1280xf32, #tpu.memory_space<vmem>>, vector<16x1280xf32>
    %add3A_128 = arith.addf %add3A_124, %get3A_127 : vector<16x1280xf32>
    %get3A_129 = arith.constant 0 : index
    %get3A_130 = arith.constant 0 : index
    %get3A_131 = vector.load %arg1[%get3A_129, %get3A_130] : memref<32x16xf32, #tpu.memory_space<vmem>>, vector<32x16xf32>
    %reduce_sum3A = arith.constant dense<0.000000e+00> : vector<16xf32>
    %reduce_sum3A_132 = vector.multi_reduction <add>, %get3A_131, %reduce_sum3A [0] : vector<32x16xf32> to vector<16xf32>
    %broadcast_in_dim3A = vector.shape_cast %reduce_sum3A_132 : vector<16xf32> to vector<1x16xf32>
    %iota3A = tpu.iota {dimensions = array<i32: 0>} : vector<16x16xi32>
    %iota3A_133 = tpu.iota {dimensions = array<i32: 1>} : vector<16x16xi32>
    %eq3A = arith.cmpi eq, %iota3A, %iota3A_133 : vector<16x16xi32>
    %convert_element_type3A = arith.extui %eq3A : vector<16x16xi1> to vector<16x16xi32>
    %convert_element_type3A_134 = arith.sitofp %convert_element_type3A : vector<16x16xi32> to vector<16x16xf32>
    %mul3A = vector.broadcast %broadcast_in_dim3A : vector<1x16xf32> to vector<16x16xf32>
    %mul3A_135 = arith.mulf %convert_element_type3A_134, %mul3A : vector<16x16xf32>
    %reduce_sum3A_136 = arith.constant dense<0.000000e+00> : vector<16xf32>
    %reduce_sum3A_137 = vector.multi_reduction <add>, %mul3A_135, %reduce_sum3A_136 [1] : vector<16x16xf32> to vector<16xf32>
    %broadcast_in_dim3A_138 = vector.shape_cast %reduce_sum3A_137 : vector<16xf32> to vector<16x1xf32>
    %get3A_139 = arith.constant 0 : index
    %get3A_140 = arith.constant 0 : index
    %get3A_141 = vector.load %arg3[%get3A_139, %get3A_140] : memref<16x1xf32, #tpu.memory_space<vmem>>, vector<16x1xf32>
    %add3A_142 = arith.addf %broadcast_in_dim3A_138, %get3A_141 : vector<16x1xf32>
    %max3A = arith.constant 1.000000e+00 : f32
    %max3A_143 = vector.broadcast %max3A : f32 to vector<16x1xf32>
    %max3A_144 = arith.maximumf %add3A_142, %max3A_143 : vector<16x1xf32>
    %div3A = vector.broadcast %max3A_144 : vector<16x1xf32> to vector<16x1280xf32>
    %div3A_145 = arith.divf %add3A_128, %div3A : vector<16x1280xf32>
    %gt3A = arith.constant 0.000000e+00 : f32
    %gt3A_146 = vector.broadcast %gt3A : f32 to vector<16x1xf32>
    %gt3A_147 = arith.cmpf ogt, %add3A_142, %gt3A_146 : vector<16x1xf32>
    %convert_element_type3A_148 = arith.extui %gt3A_147 : vector<16x1xi1> to vector<16x1xi32>
    %convert_element_type3A_149 = arith.sitofp %convert_element_type3A_148 : vector<16x1xi32> to vector<16x1xf32>
    %get3A_150 = arith.constant 0 : index
    %get3A_151 = arith.constant 0 : index
    %get3A_152 = vector.load %arg5[%get3A_150, %get3A_151] : memref<1280x128xf32, #tpu.memory_space<vmem>>, vector<1280x128xf32>
    %dot_general3A = arith.constant dense<0.000000e+00> : vector<16x128xf32>
    %dot_general3A_153 = tpu.matmul %div3A_145, %get3A_152, %dot_general3A {dimension_numbers = #tpu.dot_dimension_numbers<[1], [0], [0], [1], [0, 0, 1, 1], [], []>, transpose_lhs_hint = false} : vector<16x1280xf32>, vector<1280x128xf32>, vector<16x128xf32> -> vector<16x128xf32>
    %get3A_154 = arith.constant 0 : index
    %get3A_155 = arith.constant 0 : index
    %get3A_156 = vector.load %arg6[%get3A_154, %get3A_155] : memref<1x128xf32, #tpu.memory_space<vmem>>, vector<1x128xf32>
    %mul3A_157 = vector.broadcast %get3A_156 : vector<1x128xf32> to vector<16x128xf32>
    %mul3A_158 = vector.broadcast %convert_element_type3A_149 : vector<16x1xf32> to vector<16x128xf32>
    %mul3A_159 = arith.mulf %mul3A_157, %mul3A_158 : vector<16x128xf32>
    %add3A_160 = arith.addf %dot_general3A_153, %mul3A_159 : vector<16x128xf32>
    %swap3A = arith.constant 0 : index
    %swap3A_161 = arith.constant 0 : index
    %swap3A_162 = vector.load %arg10[%swap3A, %swap3A_161] : memref<16x128xf32, #tpu.memory_space<vmem>>, vector<16x128xf32>
    tpu.vector_store %arg10[%swap3A, %swap3A_161], %add3A_160 {strides = array<i32>} : memref<16x128xf32, #tpu.memory_space<vmem>>, vector<16x128xf32>,
    %get3A_163 = arith.constant 0 : index
    %get3A_164 = arith.constant 0 : index
    %get3A_165 = vector.load %arg7[%get3A_163, %get3A_164] : memref<1x256xf32, #tpu.memory_space<vmem>>, vector<1x128xf32>
    %get3A_166 = arith.constant 0 : index
    %get3A_167 = arith.constant 128 : index
    %get3A_168 = vector.load %arg7[%get3A_166, %get3A_167] : memref<1x256xf32, #tpu.memory_space<vmem>>, vector<1x128xf32>
    %get3A_169 = arith.constant 0 : index
    %get3A_170 = arith.constant 0 : index
    %get3A_171 = vector.load %arg4[%get3A_169, %get3A_170] : memref<16x128xf32, #tpu.memory_space<vmem>>, vector<16x128xf32>
    %mul3A_172 = vector.broadcast %get3A_165 : vector<1x128xf32> to vector<16x128xf32>
    %mul3A_173 = arith.mulf %get3A_171, %mul3A_172 : vector<16x128xf32>
    %reduce_sum3A_174 = arith.constant dense<0.000000e+00> : vector<16xf32>
    %reduce_sum3A_175 = vector.multi_reduction <add>, %mul3A_173, %reduce_sum3A_174 [1] : vector<16x128xf32> to vector<16xf32>
    %broadcast_in_dim3A_176 = vector.shape_cast %reduce_sum3A_175 : vector<16xf32> to vector<16x1xf32>
    %mul3A_177 = vector.broadcast %get3A_168 : vector<1x128xf32> to vector<16x128xf32>
    %mul3A_178 = arith.mulf %add3A_160, %mul3A_177 : vector<16x128xf32>
    %reduce_sum3A_179 = arith.constant dense<0.000000e+00> : vector<16xf32>
    %reduce_sum3A_180 = vector.multi_reduction <add>, %mul3A_178, %reduce_sum3A_179 [1] : vector<16x128xf32> to vector<16xf32>
    %broadcast_in_dim3A_181 = vector.shape_cast %reduce_sum3A_180 : vector<16xf32> to vector<16x1xf32>
    %add3A_182 = arith.addf %broadcast_in_dim3A_176, %broadcast_in_dim3A_181 : vector<16x1xf32>
    %get3A_183 = arith.constant 0 : index
    %get3A_184 = arith.constant 0 : index
    %get3A_185 = vector.load %arg8[%get3A_183, %get3A_184] : memref<1x1xf32, #tpu.memory_space<vmem>>, vector<1x1xf32>
    %get3A_186 = vector.extract %get3A_185[0, 0] : f32 from vector<1x1xf32>
    %add3A_187 = vector.broadcast %get3A_186 : f32 to vector<16x1xf32>
    %add3A_188 = arith.addf %add3A_182, %add3A_187 : vector<16x1xf32>
    %swap3A_189 = arith.constant 0 : index
    %swap3A_190 = arith.constant 0 : index
    %swap3A_191 = vector.load %arg9[%swap3A_189, %swap3A_190] : memref<16x1xf32, #tpu.memory_space<vmem>>, vector<16x1xf32>
    tpu.vector_store %arg9[%swap3A_189, %swap3A_190], %add3A_188 {strides = array<i32>} : memref<16x1xf32, #tpu.memory_space<vmem>>, vector<16x1xf32>,
    return
  }
}

</mosaic_0001>

<sc_bundles>
// kernel: _run.5.cloned.1.call-start
scs
__scs_entry_jumppad:
0x0: {  	(pc) =	sbr.rel $0x88, $3  }
0x1: {  	(tag) =	ssettag $0x0;
	lr =	simm.s32 $0x1  }
0x2: {  	[smem:$0x3F99] =	sst lr;
	_ =	strace $0xD0000000  }
0x3: {  	_ = 	snop  }
0x4: {  	_ = 	snop  }
0x5: {  	_ = 	snop  }
0x6: {  	_ = 	snop  }
0x7: {  	_ = 	snop  }
__scs_overlays_trampoline_lowered:
0x8: {  	[smem:$0x3FA8] =	sst s0  }
0x9: {  	[smem:$0x3FA9] =	sst s1  }
0xa: {  	[smem:$0x3FAA] =	sst s2  }
0xb: {  	[smem:$0x3FAB] =	sst s3  }
0xc: {  	[smem:$0x3FAC] =	sst s4  }
0xd: {  	[smem:$0x3FAD] =	sst s5  }
0xe: {  	[smem:$0x3FAE] =	sst s6  }
0xf: {  	[smem:$0x3FAF] =	sst s7  }
0x10: {  	[smem:$0x3FB0] =	sst s8  }
0x11: {  	[smem:$0x3FB1] =	sst s9;
	s0 =	simm.s32 @!p0 $0x0  }
0x12: {  	s1 =	sld [smem:$0x3F97];
	s0 =	simm.s32 @p0 $0x1  }
0x13: {  	[smem:$0x3FB2] =	sst s0;
	s0 =	simm.s32 @!p1 $0x0  }
0x14: {  	s2 =	sld [smem:$0x3F96];
	s0 =	simm.s32 @p1 $0x1  }
0x15: {  	[smem:$0x3FB3] =	sst s0;
	s0 =	simm.s32 @!p2 $0x0  }
0x16: {  	s3 =	sld [smem:$0x3FDB];
	s0 =	simm.s32 @p2 $0x1  }
0x17: {  	s4 =	simm.s32 $0x1BF5;
	[smem:$0x3FB5] =	sst s0  }
0x18: {  	s0 =	sld [smem:$0x3F98];
	_ =	swait.ge [sflag:s4], $0x0  }
0x19: {  	s7 =	sld [smem:$0x3F99]  }
0x1a: {  	s8 =	sadd.s32 $0xFFFFE003, lr  }
0x1b: {  	s9 =	sadd.s32 $0xFFFFFEF7, lr;
	s5 =	simm.s32 $0xFFFFFFFF;
	p2 =	slt.u32 s8, $0xFFFFF086  }
0x1c: {  	p1 =	slt.u32 s9, $0xF7A;
	s5 =	simm.s32 @!p2 $0x0  }
0x1d: {  	s5 =	simm.s32 @p1 $0x1;
	p0 =	seq.s32 s7, s2  }
0x1e: {  	s7 =	smul.u32 @!p0 $0xF7A, s2;
	p2 =	seq.s32 @!p0 s5, $0x0  }
0x1f: {  	s9 =	smul.u32 $0xF7A, s1;
	s8 =	simm.s32 @!p0 $0x1BF5;
	p2 =	por !p2, p0  }
0x20: {  	[sflag:s8] =	ssyncset.s32 @!p0 $0xFFFFF086;
	s6 =	sadd.s32 @!p0 s3, s7;
	s7 =	simm.s32 @!p0 $0x108  }
0x21: {  	s3 =	sadd.s32 s3, s9;
	s6 =	sadd.s32 @!p0 $0x88, s6;
	s7 =	simm.s32 @p2 $0x1082  }
0x22: {  	[simem:s7], [sflag:s8] =	dma.local @!p0 [hbm:s6], $0xF7A  }
0x23: {  	s9 =	sor.u32 $0xD0000000, s2;
	s6 =	simm.s32 $0x108;
	_ =	swait.ge @!p0 [sflag:s8], $0x0  }
0x24: {  	s3 =	sadd.s32 $0x88, s3;
	s6 =	simm.s32 @!p1 $0x1082;
	[sflag:s4] =	ssyncset.s32 $0xFFFFF086  }
0x25: {  	[simem:s6], [sflag:s4] =	dma.local [hbm:s3], $0xF7A  }
0x26: {  	[smem:$0x3F99] =	sst s1;
	(tag) =	ssettag s2;
	_ =	strace s9  }
0x27: {  	s1 =	sld [smem:$0x3FA9]  }
0x28: {  	s2 =	sld [smem:$0x3FAA]  }
0x29: {  	s4 =	sld [smem:$0x3FAC]  }
0x2a: {  	p0 =	seq.s32 s5, $0x0;
	s5 =	sld [smem:$0x3FAD]  }
0x2b: {  	s6 =	sld [smem:$0x3FAE]  }
0x2c: {  	s7 =	sld [smem:$0x3FAF]  }
0x2d: {  	s3 =	simm.s32 $0x108;
	s8 =	sld [smem:$0x3FB0]  }
0x2e: {  	s3 =	simm.s32 @!p0 $0x1082;
	s9 =	sld [smem:$0x3FB1]  }
0x2f: {  	lr =	sadd.s32 s0, s3;
	s0 =	sld [smem:$0x3FA8]  }
0x30: {  	s3 =	sld [smem:$0x3FAB]  }
0x31: {  	[smem:$0x3FB4] =	sst s10  }
0x32: {  	s10 =	sld [smem:$0x3FB2];
	_ =	sdelay $0x3  }
0x33: {  	p0 =	seq.s32 s10, $0x1;
	s10 =	sld [smem:$0x3FB4];
	_ =	sdelay $0x3  }
0x34: {  	[smem:$0x3FB4] =	sst s10  }
0x35: {  	s10 =	sld [smem:$0x3FB3];
	_ =	sdelay $0x3  }
0x36: {  	p1 =	seq.s32 s10, $0x1;
	s10 =	sld [smem:$0x3FB4];
	_ =	sdelay $0x3  }
0x37: {  	[smem:$0x3FB4] =	sst s10  }
0x38: {  	s10 =	sld [smem:$0x3FB5]  }
0x39: {  	_ = 	snop;
	(pc) =	sbr.ind lr, $3  }
0x3a: {  	_ = 	snop  }
0x3b: {  	_ = 	snop  }
0x3c: {  	p2 =	seq.s32 s10, $0x1;
	s10 =	sld [smem:$0x3FB4]  }
0x3d: {  	_ =	shalt  }
0x3e: {  	_ =	shalt  }
0x3f: {  	_ =	shalt  }
0x40: {  	_ =	shalt  }
0x41: {  	_ =	shalt  }
0x42: {  	_ =	shalt  }
0x43: {  	_ =	shalt  }
0x44: {  	_ =	shalt  }
0x45: {  	_ =	shalt  }
0x46: {  	_ =	shalt  }
0x47: {  	_ =	shalt  }
0x48: {  	_ =	shalt  }
0x49: {  	_ =	shalt  }
0x4a: {  	_ =	shalt  }
0x4b: {  	_ =	shalt  }
0x4c: {  	_ =	shalt  }
0x4d: {  	_ =	shalt  }
0x4e: {  	_ =	shalt  }
0x4f: {  	_ =	shalt  }
0x50: {  	_ =	shalt  }
0x51: {  	_ =	shalt  }
0x52: {  	_ =	shalt  }
0x53: {  	_ =	shalt  }
0x54: {  	_ =	shalt  }
0x55: {  	_ =	shalt  }
0x56: {  	_ =	shalt  }
0x57: {  	_ =	shalt  }
0x58: {  	_ =	shalt  }
0x59: {  	_ =	shalt  }
0x5a: {  	_ =	shalt  }
0x5b: {  	_ =	shalt  }
0x5c: {  	_ =	shalt  }
0x5d: {  	_ =	shalt  }
0x5e: {  	_ =	shalt  }
0x5f: {  	_ =	shalt  }
0x60: {  	_ =	shalt  }
0x61: {  	_ =	shalt  }
0x62: {  	_ =	shalt  }
0x63: {  	_ =	shalt  }
0x64: {  	_ =	shalt  }
0x65: {  	_ =	shalt  }
0x66: {  	_ =	shalt  }
0x67: {  	_ =	shalt  }
0x68: {  	_ =	shalt  }
0x69: {  	_ =	shalt  }
0x6a: {  	_ =	shalt  }
0x6b: {  	_ =	shalt  }
0x6c: {  	_ =	shalt  }
0x6d: {  	_ =	shalt  }
0x6e: {  	_ =	shalt  }
0x6f: {  	_ =	shalt  }
0x70: {  	_ =	shalt  }
0x71: {  	_ =	shalt  }
0x72: {  	_ =	shalt  }
0x73: {  	_ =	shalt  }
0x74: {  	_ =	shalt  }
0x75: {  	_ =	shalt  }
0x76: {  	_ =	shalt  }
0x77: {  	_ =	shalt  }
0x78: {  	_ =	shalt  }
0x79: {  	_ =	shalt  }
0x7a: {  	_ =	shalt  }
0x7b: {  	_ =	shalt  }
0x7c: {  	_ =	shalt  }
0x7d: {  	_ =	shalt  }
0x7e: {  	_ =	shalt  }
0x7f: {  	_ =	shalt  }
0x80: {  	_ =	shalt  }
0x81: {  	_ =	shalt  }
0x82: {  	_ =	shalt  }
0x83: {  	_ =	shalt  }
0x84: {  	_ =	shalt  }
0x85: {  	_ =	shalt  }
0x86: {  	_ =	shalt  }
0x87: {  	_ =	shalt  }
.Lfunc_end0:
.L_simem_size_0:
called_computation_lowered:
.L_overlay_start_0:
0x88: {  	s2 =	sld [smem:$0x3FD9]  }
0x89: {  	s3 =	sld [smem:$0x3FFE];
	_ =	sdelay $0x1  }
0x8a: {  	s1 =	srdreg.scid  }
0x8b: {  	s0 =	sand.u32 $0x1, s1  }
0x8c: {  	s17 =	sshll.u32 s0, $0xA;
	s2 =	sadd.s32 s3, s2  }
0x8d: {  	s2 =	sadd.s32 s2, s17  }
0x8e: {  	[smem:$0x3FC0] =	sst s2  }
0x8f: {  	_ = 	snop  }
0x90: {  	s2 =	sld [smem:$0x3FC9]  }
0x91: {  	s18 =	sld [smem:$0x3FC7];
	(tm) =	ssettm $0x1  }
0x92: {  	s4 =	sld [smem:$0x3FFB];
	_ =	sdelay $0x3  }
0x93: {  	_ =	strace s4  }
0x94: {  	s4 =	sld [smem:$0x3FFC];
	_ =	sdelay $0x3  }
0x95: {  	_ =	strace s4  }
0x96: {  	s4 =	sld [smem:$0x3FFD];
	_ =	sdelay $0x3  }
0x97: {  	_ =	strace s4  }
0x98: {  	_ =	strace $0x8FFFFFFF  }
0x99: {  	s19 =	sld [smem:$0x3FDB];
	_ =	sdelay $0x1  }
0x9a: {  	s5 =	simm.s32 $_scs_section_size  }
0x9b: {  	s6 =	simm.s32 $_size__tile_overlayer_lowered;
	s7 =	simm.s32 $_tile_overlayer_lowered  }
0x9c: {  	s22 =	simm.s32 $0x1BFF;
	s21 =	sshll.u32 s7, $0x1;
	s4 =	sadd.s32 s5, s19  }
0x9d: {  	s8 =	simm.s32 $0x0;
	s20 =	sshll.u32 s6, $0x1;
	s6 =	sadd.s32 s21, s4  }
0x9e: {  	[timem:s8], [sflag:s22] =	dma.local [hbm:s6], s20  }
0x9f: {  	_ =	swait.ge [sflag:s22], s20  }
0xa0: {  	s5 =	ssub.s32 $0x0, s20;
	[sflag:s22] =	ssyncset.done $0x0  }
0xa1: {  	[sflag:s22] =	ssyncadd.s32 s5;
	_ =	sdelay $0x1  }
0xa2: {  	s23 =	simm.s32 $0x1B8B  }
0xa3: {  	_ =	swait.ge [sflag:s23], $0x1  }
0xa4: {  	[sflag:s23] =	ssyncset.done $0x0  }
0xa5: {  	s25 =	simm.s32 $0x1B8E;
	s24 =	sld [smem:$0x3FFE];
	[sflag:s23] =	ssyncadd.s32 $0xFFFFFFFF  }
0xa6: {  	s26 =	simm.s32 $execute0_lowered;
	[smem:$0x3FD2] =	sst s25  }
0xa7: {  	s6 =	sshll.u32 s26, $0x1;
	_ =	strace $0x80000046;
	[dreg:$0x1] =	wrdreg $0xFFFFFFFF  }
0xa8: {  	s28 =	simm.s32 $_size_execute0_lowered;
	s4 =	sadd.s32 s4, s6;
	[dreg:$0x0] =	wrdreg $0x0  }
0xa9: {  	s6 =	sshll.u32 s28, $0x1;
	[dreg:$0x2] =	wrdreg s4  }
0xaa: {  	[dreg:$0x3] =	wrdreg s6  }
0xab: {  	[dreg:$0x4] =	wrdreg $0xC0  }
0xac: {  	_ =	task [dreg:s8], $0x5FFFF  }
0xad: {  	[dreg:$0x1] =	wrdreg $0xFFFFFFFF  }
0xae: {  	[dreg:$0x0] =	wrdreg $0x60  }
0xaf: {  	[dreg:$0x2] =	wrdreg s2  }
0xb0: {  	[dreg:$0x3] =	wrdreg s18  }
0xb1: {  	[dreg:$0x4] =	wrdreg s24  }
0xb2: {  	[dreg:$0x5] =	wrdreg $0x9  }
0xb3: {  	_ =	task.clear_ibuf [dreg:s8], $0x6FFFF;
	_ =	strace $0x90000046  }
0xb4: {  	s29 =	simm.s32 $0x9;
	_ =	strace $0x80000048  }
0xb5: {  	_ =	swait.ge [sflag:s29], $0x1  }
0xb6: {  	[sflag:s29] =	ssyncadd.s32 $0xFFFFFFFF  }
0xb7: {  	_ =	strace $0x90000048  }
0xb8: {  	_ =	sfence  }
0xb9: {  	s30 =	sld [smem:$0x0];
	_ =	sdelay $0x2  }
0xba: {  	s31 =	sshll.u32 s1, $0xD;
	s1 =	sshrl.u32 s1, $0x2  }
0xbb: {  	s3 =	sand.u32 $0x4000, s31;
	s1 =	sadd.s32 s1, s30  }
0xbc: {  	s0 =	sor.u32 s3, s0;
	s1 =	sshll.u32 s1, $0x11  }
0xbd: {  	s0 =	sor.u32 s1, s0  }
0xbe: {  	s0 =	sadd.s32 $0x8F2B, s0  }
0xbf: {  	[sflag:s0] =	ssyncadd.remote.s32 $0x1  }
0xc0: {  	_ =	sfence.sel $0xFFFF  }
0xc1: {  	[dreg:$0x0] =	wrdreg $0xFFFFFFFF;
	(pc) =	sbr.abs _section_cstart, $3  }
0xc2: {  	[dreg:$0x1] =	wrdreg $0xFFFFFFFF  }
0xc3: {  	_ =	task.clear_ibuf [dreg:s8], $0x2FFFF;
	_ =	strace $0x9FFFFFFF  }
0xc4: {  	(tm) =	ssettm $0x7FFFFFFF  }
0xc5: {  	_ =	shalt  }
tec
execute0_lowered:
.L_overlay_start_1:
0x0: {  	(tag) =	ssettag $0x1  }
0x1: {  	s1 =	rddreg [dreg:$0x0]  }
0x2: {  	s2 =	srdreg.scid;
	s6 =	rddreg [dreg:$0x1]  }
0x3: {  	s0 =	stileid.u32;
	s7 =	rddreg [dreg:$0x2]  }
0x4: {  	s3 =	simm.s32 $0x0;
	s14 =	simm.s32 $0x3;
	s15 =	simm.s32 $0x1  }
0x5: {  	s16 =	simm.s32 $0x2;
	s4 =	sand.u32 $0x1, s2;
	s26 =	sshll.u32 s0, $0x1  }
0x6: {  	s17 =	simm.s32 $0x180;
	s18 =	simm.s32 $0x5180;
	s5 =	sor.u32 s4, s26  }
0x7: {  	s19 =	simm.s32 $0x0;
	[smem:$0x7FF] =	sst s3;
	s8 =	smul.u32 $0x140, s5  }
0x8: {  	_ =	strace $0x80000047;
	s4 =	ssub.s32 $0x2, s4;
	s9 =	smul.u32 $0xA00, s5  }
0x9: {  	s5 =	sshll.u32 s5, $0x4;
	s28 =	sshrl.u32 s4, $0x1;
	s10 =	sshrl.u32 s8, $0x3  }
0xa: {  	s13 =	sadd.s32 s5, s7;
	s30 =	ssub.s32 s4, s28;
	s11 =	smul.u32 $0x2800, s10  }
.Ltmp0:
0xb: {  	s9 =	sadd.s32 s9, s7;
	s7 =	sadd.s32 $0x40, s8;
	(pc) =	sbr.rel .LBB2_1-.Ltmp0, $4  }
0xc: {  	s8 =	sadd.s32 $0x60, s8;
	s12 =	smul.u32 $0x500, s10;
	s6 =	sadd.s32 s6, s10  }
0xd: {  	s9 =	sadd.s32 $0x1A00, s9;
	s10 =	sadd.s32 $0x15A00, s13;
	s29 =	sshrl.u32 s11, $0x3  }
0xe: {  	s13 =	simm.s32 $0xF200;
	s4 =	sadd.s32 s1, s12;
	s31 =	sadd.s32 s1, s29  }
0xf: {  	v0 =	vimm.f32 $0.0e+00;
	v1 =	vlaneseq.u32;
	s11 =	smax.u32 s30, $0x1;
	s12 =	simm.s32 $0x5200;
	s5 =	sadd.s32 $0x1400, s31  }
.LBB2_21:
0x10: {  	[hbm4b:s9+s3] =	stream.linear.scatter [tilespmem:s17], [sflag:$0x3], $0x5000, $0x38;
	[tilespmem:$0x19200] =	vst v63  }
0x11: {  	s19 =	sadd.s32 $0x1, s19;
	_ =	swait.ge [sflag:s14], $0x5000  }
0x12: {  	p0 =	sne.s32 s19, s11;
	[sflag:s14] =	ssyncset.done $0x0  }
.Ltmp1:
0x13: {  	[sflag:s14] =	ssyncadd.s32 $0xFFFFB000;
	(pc) =	sbr.rel @!p0 .LBB2_22-.Ltmp1, $4  }
0x14: {  	[hbm4b:s10+s3] =	stream.linear.scatter [tilespmem:s18], [sflag:$0x3], $0x80, $0x38;
	[tilespmem:$0x19200] =	vst v63  }
0x15: {  	_ =	swait.ge [sflag:s14], $0x80  }
0x16: {  	[sflag:s14] =	ssyncset.done $0x0  }
0x17: {  	[sflag:s14] =	ssyncadd.s32 $0xFFFFFF80  }
.LBB2_1:
0x18: {  	[tilespmem:s12], [sflag:$0x1] =	stream.linear.gather [hbm4b:s4+s3], $0xA000, $0x38;
	[tilespmem:$0x19200] =	vst v63  }
0x19: {  	_ = 	snop  }
0x1a: {  	[tilespmem:s13], [sflag:$0x2] =	stream.linear.gather [hbm4b:s5+s3], $0xA000, $0x38;
	[tilespmem:$0x19200] =	vst v63  }
0x1b: {  	_ = 	snop  }
0x1c: {  	[tilespmem:s3], [sflag:$0x3] =	stream.linear.gather [hbm4b:s6+s3], $0x140, $0x38;
	[tilespmem:$0x19200] =	vst v63  }
0x1d: {  	_ =	swait.ge [sflag:s14], $0x140  }
0x1e: {  	s20 =	sand.u32 $0x70, s3;
	s21 =	sand.u32 $0x3C00, s3;
	[sflag:s14] =	ssyncset.done $0x0  }
0x1f: {  	s20 =	sor.u32 s20, s21;
	[sflag:s14] =	ssyncadd.s32 $0xFFFFFEC0  }
0x20: {  	[tilespmem:s20+$0x180] =	vst v0  }
0x21: {  	[tilespmem:s20+$0x200] =	vst v0  }
0x22: {  	[tilespmem:s20+$0x280] =	vst v0  }
0x23: {  	s31 =	sand.u32 $0x7, s3;
	s22 =	simm.s32 $0x10;
	[tilespmem:s20+$0x300] =	vst v0  }
0x24: {  	s23 =	simm.s32 $0x0;
	s24 =	sshll.u32 s31, $0x4;
	s21 =	simm.s32 $0x0;
	[tilespmem:s20+$0x380] =	vst v0  }
.LBB2_2:
0x25: {  	p0 =	sne.s32 s22, $0x4F0;
	s24 =	sadd.s32 s24, s21;
	[tilespmem:s20+$0x400] =	vst v0  }
0x26: {  	[tilespmem:s20+$0x480] =	vst v0;
	s24 =	sor.u32 $0x380, s24  }
0x27: {  	[tilespmem:s24+$0x180] =	vst v0  }
0x28: {  	[tilespmem:s20+$0x2D00] =	vst v0  }
0x29: {  	[tilespmem:s20+$0x2980] =	vst v0  }
0x2a: {  	[tilespmem:s20+$0x2A00] =	vst v0  }
0x2b: {  	[tilespmem:s20+$0x2A80] =	vst v0  }
0x2c: {  	[tilespmem:s20+$0x2B00] =	vst v0  }
0x2d: {  	s21 =	sadd.s32 $0x80, s21;
	[tilespmem:s20+$0x2B80] =	vst v0  }
0x2e: {  	s25 =	sand.u32 $0x3C00, s21;
	s24 =	sand.u32 $0x70, s22;
	[tilespmem:s20+$0x2C00] =	vst v0  }
0x2f: {  	[tilespmem:s20+$0x2C80] =	vst v0;
	s20 =	sor.u32 s24, s25  }
.Ltmp2:
0x30: {  	[tilespmem:s20+$0x180] =	vst v0;
	(pc) =	sbr.rel @p0 .LBB2_2-.Ltmp2, $4  }
0x31: {  	[tilespmem:s20+$0x200] =	vst v0  }
0x32: {  	s23 =	sadd.s32 $0x1, s23;
	[tilespmem:s20+$0x280] =	vst v0  }
0x33: {  	s24 =	sand.u32 $0x7, s23;
	[tilespmem:s20+$0x300] =	vst v0  }
0x34: {  	s22 =	sadd.s32 $0x10, s22;
	s24 =	sshll.u32 s24, $0x4;
	[tilespmem:s20+$0x380] =	vst v0  }
0x35: {  	s21 =	sadd.s32 s24, s21;
	[tilespmem:s20+$0x400] =	vst v0  }
0x36: {  	[tilespmem:s20+$0x480] =	vst v0;
	s21 =	sor.u32 $0x380, s21  }
0x37: {  	[tilespmem:s21+$0x180] =	vst v0  }
0x38: {  	[tilespmem:s20+$0x2D00] =	vst v0  }
0x39: {  	[tilespmem:s20+$0x2980] =	vst v0  }
0x3a: {  	[tilespmem:s20+$0x2A00] =	vst v0  }
0x3b: {  	[tilespmem:s20+$0x2A80] =	vst v0  }
0x3c: {  	[tilespmem:s20+$0x2B00] =	vst v0  }
0x3d: {  	[tilespmem:s20+$0x2B80] =	vst v0  }
0x3e: {  	[tilespmem:s20+$0x2C00] =	vst v0  }
0x3f: {  	[tilespmem:s20+$0x2C80] =	vst v0  }
0x40: {  	s20 =	simm.s32 $0x0;
	[tilespmem:$0x5180] =	vst v0  }
.LBB2_4:
0x41: {  	_ =	swait.ge [sflag:s15], $0xA000  }
0x42: {  	[sflag:s15] =	ssyncset.done $0x0  }
0x43: {  	s21 =	sshll.u32 s20, $0x6;
	[sflag:s15] =	ssyncadd.s32 $0xFFFF6000  }
0x44: {  	v4 =	vld [tilespmem:s21+$0x0];
	_ =	sdelay $0x1  }
0x45: {  	v3 =	vld [tilespmem:s21+$0x10];
	_ =	sdelay $0x2  }
0x46: {  	v2 =	vbroadcast v4, $0x0;
	_ =	sdelay $0x1  }
0x47: {  	vm0 =	veq.s32 v4, v2;
	vm1 =	veq.s32 v3, v2  }
0x48: {  	vm0 =	vmand vm0, vm1  }
0x49: {  	v3 =	vsel vm0, $0x3F800000, v0  }
0x4a: {  	(xrf0) =	vmin.scan.msk.f32 $0xffff, v3;
	_ =	sdelay $0x5  }
0x4b: {  	v3, _, _ =	vpop (xrf0)  }
0x4c: {  	(v2sf) =	vpush v3, $0xF;
	_ =	sdelay $0xe  }
0x4d: {  	s22 =	spop (v2sf)  }
0x4e: {  	p0 =	sgt.f32 s22, $0.0e+00  }
.Ltmp3:
0x4f: {  	_ = 	snop;
	(pc) =	sbr.rel @!p0 .LBB2_8-.Ltmp3, $2  }
0x50: {  	_ =	sdelay $0x2  }
0x51: {  	s22 =	simm.s32 $0x0  }
0x52: {  	s24 =	simm.s32 $0x0  }
0x53: {  	s22 =	sand.u32 $0x70, s24;
	s23 =	sand.u32 $0x3C00, s24  }
0x54: {  	s25 =	sor.u32 s22, s23  }
0x55: {  	v26 =	vld [tilespmem:s25+$0x5200]  }
0x56: {  	v27 =	vld [tilespmem:s25+$0x5280]  }
0x57: {  	v29 =	vld [tilespmem:s25+$0x5300]  }
0x58: {  	v30 =	vld [tilespmem:s25+$0x5380]  }
0x59: {  	v3 =	vld [tilespmem:s25+$0x5400]  }
0x5a: {  	(v2sf) =	vpush v4, $0x0;
	v4 =	vld [tilespmem:s25+$0x5480]  }
0x5b: {  	v5 =	vld [tilespmem:s25+$0x7A00]  }
0x5c: {  	v7 =	vld [tilespmem:s25+$0x7A80]  }
0x5d: {  	v6 =	vld [tilespmem:s25+$0x7B00]  }
0x5e: {  	v9 =	vld [tilespmem:s25+$0x7B80]  }
0x5f: {  	v10 =	vld [tilespmem:s25+$0x7C00]  }
0x60: {  	v12 =	vld [tilespmem:s25+$0x7C80]  }
0x61: {  	v8 =	vld [tilespmem:s25+$0x7D00]  }
0x62: {  	v11 =	vld [tilespmem:s25+$0x7D80]  }
0x63: {  	v13 =	vld [tilespmem:s25+$0xA200]  }
0x64: {  	v15 =	vld [tilespmem:s25+$0xA280]  }
0x65: {  	v14 =	vld [tilespmem:s25+$0xA300]  }
0x66: {  	v16 =	vld [tilespmem:s25+$0xA380]  }
0x67: {  	v17 =	vld [tilespmem:s25+$0xA400]  }
0x68: {  	v18 =	vld [tilespmem:s25+$0xA480]  }
0x69: {  	v19 =	vld [tilespmem:s25+$0xA500]  }
0x6a: {  	v20 =	vld [tilespmem:s25+$0xA580];
	s26 =	spop (v2sf)  }
0x6b: {  	v21 =	vld [tilespmem:s25+$0xCA00];
	s28 =	sshrl.u32 s26, $0x3  }
0x6c: {  	v22 =	vld [tilespmem:s25+$0xCA80];
	s28 =	smul.u32 $0xA000, s28  }
0x6d: {  	v23 =	vld [tilespmem:s25+$0xCB00];
	s26 =	sshll.u32 s26, $0x7  }
0x6e: {  	v24 =	vld [tilespmem:s25+$0xCB80];
	s26 =	sand.u32 $0x380, s26;
	s28 =	sshra.s32 s28, $0x2  }
0x6f: {  	s29 =	simm.s32 $0x0;
	v25 =	vld [tilespmem:s25+$0xCC00];
	s26 =	sor.u32 s26, s28  }
0x70: {  	s30 =	sand.u32 $0x7, s24;
	v28 =	vld [tilespmem:s25+$0xCC80];
	v26 =	vadd.f32 v27, v26;
	v27 =	vadd.f32 v30, v29;
	s28 =	simm.s32 $0x10;
	s26 =	sadd.s32 $0x180, s26  }
.LBB2_6:
0x71: {  	p0 =	sne.s32 s28, $0x4F0;
	s30 =	sshll.u32 s30, $0x4;
	v29 =	vld [tilespmem:s25+$0xCD00];
	v30 =	vadd.f32 v4, v3;
	v3 =	vadd.f32 v7, v5  }
0x72: {  	v5 =	vadd.f32 v9, v6;
	v6 =	vadd.f32 v12, v10;
	s31 =	sadd.s32 s30, s24;
	v4 =	vld [tilespmem:s25+$0xCD80];
	s24 =	sadd.s32 $0x80, s24  }
0x73: {  	v8 =	vadd.f32 v11, v8;
	v9 =	vadd.f32 v15, v13;
	s30 =	sand.u32 $0x70, s28;
	s2 =	sand.u32 $0x3C00, s24;
	v7 =	vld [tilespmem:s25+$0x5500];
	s31 =	sor.u32 $0x380, s31  }
0x74: {  	v11 =	vadd.f32 v16, v14;
	v12 =	vadd.f32 v18, v17;
	s25 =	sor.u32 s30, s2;
	v10 =	vld [tilespmem:s31+$0x5200]  }
0x75: {  	v13 =	vadd.f32 v20, v19;
	v14 =	vadd.f32 v22, v21;
	v31 =	vld [tilespmem:s25+$0x5200]  }
0x76: {  	v15 =	vadd.f32 v24, v23;
	v16 =	vadd.f32 v28, v25;
	v32 =	vld [tilespmem:s25+$0x5280]  }
0x77: {  	v18 =	vadd.f32 v27, v26;
	v33 =	vld [tilespmem:s25+$0x5300];
	v17 =	vadd.f32 v4, v29  }
0x78: {  	v19 =	vadd.f32 v5, v3;
	v6 =	vadd.f32 v8, v6;
	v27 =	vld [tilespmem:s25+$0x5380]  }
0x79: {  	v8 =	vadd.f32 v11, v9;
	v3 =	vld [tilespmem:s25+$0x5400];
	v7 =	vadd.f32 v10, v7  }
0x7a: {  	v9 =	vadd.f32 v13, v12;
	v10 =	vadd.f32 v15, v14;
	v4 =	vld [tilespmem:s25+$0x5480]  }
0x7b: {  	v12 =	vadd.f32 v17, v16;
	v5 =	vld [tilespmem:s25+$0x7A00];
	v11 =	vadd.f32 v7, v30  }
0x7c: {  	v13 =	vadd.f32 v6, v19;
	v8 =	vadd.f32 v9, v8;
	v7 =	vld [tilespmem:s25+$0x7A80]  }
0x7d: {  	v12 =	vadd.f32 v12, v10;
	v6 =	vld [tilespmem:s25+$0x7B00];
	v11 =	vadd.f32 v11, v18  }
0x7e: {  	v9 =	vld [tilespmem:s25+$0x7B80]  }
0x7f: {  	v10 =	vld [tilespmem:s25+$0x7C00];
	v11 =	vadd.f32 v13, v11;
	v13 =	vadd.f32 v12, v8  }
0x80: {  	v12 =	vld [tilespmem:s25+$0x7C80]  }
0x81: {  	s31 =	sadd.s32 s23, s26;
	s23 =	smov.u32 s2;
	v8 =	vld [tilespmem:s25+$0x7D00];
	v13 =	vadd.f32 v13, v11  }
0x82: {  	s2 =	sadd.s32 s22, s31;
	s22 =	smov.u32 s30;
	v11 =	vld [tilespmem:s25+$0x7D80]  }
0x83: {  	[tilespmem:s2+$0x0] =	vst.add.f32.msk $0xffff, v13  }
0x84: {  	v13 =	vld [tilespmem:s25+$0xA200]  }
0x85: {  	v15 =	vld [tilespmem:s25+$0xA280]  }
0x86: {  	v14 =	vld [tilespmem:s25+$0xA300]  }
0x87: {  	v16 =	vld [tilespmem:s25+$0xA380]  }
0x88: {  	v17 =	vld [tilespmem:s25+$0xA400]  }
0x89: {  	v18 =	vld [tilespmem:s25+$0xA480]  }
0x8a: {  	v19 =	vld [tilespmem:s25+$0xA500]  }
0x8b: {  	v20 =	vld [tilespmem:s25+$0xA580]  }
0x8c: {  	v21 =	vld [tilespmem:s25+$0xCA00]  }
.Ltmp4:
0x8d: {  	v22 =	vld [tilespmem:s25+$0xCA80];
	(pc) =	sbr.rel @p0 .LBB2_6-.Ltmp4, $4  }
0x8e: {  	v23 =	vld [tilespmem:s25+$0xCB00]  }
0x8f: {  	v24 =	vld [tilespmem:s25+$0xCB80]  }
0x90: {  	s29 =	sadd.s32 $0x1, s29;
	v25 =	vld [tilespmem:s25+$0xCC00]  }
0x91: {  	s28 =	sadd.s32 $0x10, s28;
	s30 =	sand.u32 $0x7, s29;
	v26 =	vadd.f32 v32, v31;
	v27 =	vadd.f32 v27, v33;
	v28 =	vld [tilespmem:s25+$0xCC80]  }
0x92: {  	s2 =	sshll.u32 s30, $0x4;
	v29 =	vld [tilespmem:s25+$0xCD00];
	v3 =	vadd.f32 v4, v3;
	v44 =	vadd.f32 v7, v5  }
0x93: {  	v45 =	vld [tilespmem:s25+$0xCD80];
	v6 =	vadd.f32 v9, v6;
	v46 =	vadd.f32 v12, v10;
	s2 =	sadd.s32 s2, s24  }
0x94: {  	v47 =	vld [tilespmem:s25+$0x5500];
	v8 =	vadd.f32 v11, v8;
	v48 =	vadd.f32 v15, v13;
	s2 =	sor.u32 $0x380, s2  }
0x95: {  	v50 =	vadd.f32 v16, v14;
	v51 =	vadd.f32 v18, v17;
	v49 =	vld [tilespmem:s2+$0x5200]  }
0x96: {  	v52 =	vadd.f32 v20, v19;
	v53 =	vadd.f32 v22, v21  }
0x97: {  	v56 =	vadd.f32 v27, v26;
	v54 =	vadd.f32 v24, v23  }
0x98: {  	v4 =	vadd.f32 v6, v44;
	v57 =	vadd.f32 v8, v46  }
0x99: {  	v59 =	vadd.f32 v50, v48;
	v55 =	vadd.f32 v28, v25  }
0x9a: {  	v5 =	vadd.f32 v45, v29;
	v58 =	vadd.f32 v49, v47  }
0x9b: {  	v60 =	vadd.f32 v52, v51;
	v61 =	vadd.f32 v54, v53  }
0x9c: {  	v5 =	vadd.f32 v5, v55;
	v3 =	vadd.f32 v58, v3  }
0x9d: {  	v4 =	vadd.f32 v57, v4;
	v62 =	vadd.f32 v60, v59  }
0x9e: {  	v5 =	vadd.f32 v5, v61;
	v3 =	vadd.f32 v3, v56;
	_ =	sdelay $0x1  }
0x9f: {  	v63 =	vadd.f32 v5, v62;
	v3 =	vadd.f32 v4, v3;
	_ =	sdelay $0x1  }
0xa0: {  	s31 =	sadd.s32 s23, s26;
	v3 =	vadd.f32 v63, v3  }
0xa1: {  	s2 =	sadd.s32 s22, s31  }
0xa2: {  	[tilespmem:s2+$0x0] =	vst.add.f32.msk $0xffff, v3  }
0xa3: {  	v3 =	vld [tilespmem:$0x5180];
	_ =	sdelay $0x2  }
.Ltmp5:
0xa4: {  	vm0 =	veq.s32 v2, v1;
	(pc) =	sbr.rel .LBB2_11-.Ltmp5, $3  }
0xa5: {  	v2 =	vsel vm0, $0x42000000, v0  }
0xa6: {  	v2 =	vadd.f32 v3, v2;
	_ =	sdelay $0x1  }
0xa7: {  	[tilespmem:$0x5180] =	vst v2  }
.LBB2_8:
0xa8: {  	s2 =	sadd.s32 s22, s21  }
0xa9: {  	v2 =	vld [tilespmem:s2+$0x0];
	_ =	sdelay $0x4  }
0xaa: {  	(v2sf) =	vpush v2, $0x0;
	_ =	sdelay $0xb  }
0xab: {  	s26 =	sshrl.u32 s22, $0x3  }
0xac: {  	s2 =	smul.u32 $0xA000, s26  }
0xad: {  	s23 =	sshll.u32 s22, $0x7;
	s28 =	simm.s32 $0x0  }
0xae: {  	s23 =	sand.u32 $0x380, s23;
	s2 =	sshra.s32 s2, $0x2;
	s24 =	spop (v2sf)  }
0xaf: {  	s26 =	sand.u32 $0x3C00, s28;
	s2 =	sor.u32 s23, s2;
	s30 =	sshrl.u32 s24, $0x3  }
0xb0: {  	s23 =	sadd.s32 $0x5200, s2;
	s24 =	sshll.u32 s24, $0x7;
	s25 =	smul.u32 $0xA000, s30  }
0xb1: {  	s31 =	sand.u32 $0x380, s24;
	s24 =	sand.u32 $0x70, s28;
	s28 =	sadd.s32 s26, s23  }
0xb2: {  	s29 =	sadd.s32 s24, s28;
	s25 =	sshra.s32 s25, $0x2  }
0xb3: {  	v3 =	vld [tilespmem:s29+$0x0];
	s2 =	sor.u32 s31, s25  }
0xb4: {  	s28 =	simm.s32 $0x10;
	s29 =	simm.s32 $0x80;
	s25 =	sadd.s32 $0x180, s2  }
.LBB2_9:
0xb5: {  	s2 =	sand.u32 $0x3C00, s29;
	s30 =	smov.u32 s28;
	p0 =	sne.s32 s28, $0x4F0  }
.Ltmp6:
0xb6: {  	s28 =	sadd.s32 $0x10, s28;
	s26 =	sadd.s32 s26, s25;
	(pc) =	sbr.rel @p0 .LBB2_9-.Ltmp6, $4  }
0xb7: {  	s31 =	sadd.s32 s2, s23;
	s26 =	sadd.s32 s24, s26;
	s24 =	sand.u32 $0x70, s30  }
0xb8: {  	s30 =	sadd.s32 s24, s31;
	[tilespmem:s26+$0x0] =	vst.add.f32.msk $0xffff, v3;
	s26 =	smov.u32 s2  }
0xb9: {  	v3 =	vld [tilespmem:s30+$0x0]  }
0xba: {  	s29 =	sadd.s32 $0x80, s29  }
0xbb: {  	_ = 	snop  }
0xbc: {  	s2 =	sadd.s32 s26, s25  }
0xbd: {  	s2 =	sadd.s32 s24, s2  }
0xbe: {  	[tilespmem:s2+$0x0] =	vst.add.f32.msk $0xffff, v3  }
0xbf: {  	v3 =	vld [tilespmem:$0x5180]  }
0xc0: {  	v2 =	vbroadcast v2, $0x0;
	s22 =	sadd.s32 $0x1, s22  }
0xc1: {  	p0 =	sne.s32 s22, $0x20  }
.Ltmp7:
0xc2: {  	vm0 =	veq.s32 v2, v1;
	(pc) =	sbr.rel @p0 .LBB2_8-.Ltmp7, $3  }
0xc3: {  	v2 =	vsel vm0, $0x3F800000, v0  }
0xc4: {  	v2 =	vadd.f32 v3, v2;
	_ =	sdelay $0x1  }
0xc5: {  	[tilespmem:$0x5180] =	vst v2  }
.LBB2_11:
0xc6: {  	p0 =	seq.s32 s20, $0x4  }
0xc7: {  	s2 =	sadd.s32 @!p0 s21, s7  }
0xc8: {  	s2 =	sshrl.u32 @!p0 s2, $0x3  }
0xc9: {  	s2 =	smul.u32 @!p0 $0x500, s2;
	_ =	sdelay $0x1  }
0xca: {  	s22 =	simm.s32 @!p0 $0x0;
	s23 =	simm.s32 @!p0 $0x5200;
	s2 =	sadd.s32 @!p0 s1, s2  }
0xcb: {  	[tilespmem:s23], [sflag:$0x1] =	stream.linear.gather @!p0 [hbm4b:s2+s22], $0xA000, $0x38;
	[tilespmem:$0x19200] =	vst v63  }
0xcc: {  	_ =	swait.ge [sflag:s16], $0xA000  }
0xcd: {  	[sflag:s16] =	ssyncset.done $0x0  }
0xce: {  	[sflag:s16] =	ssyncadd.s32 $0xFFFF6000  }
0xcf: {  	v4 =	vld [tilespmem:s21+$0x20];
	_ =	sdelay $0x1  }
0xd0: {  	v3 =	vld [tilespmem:s21+$0x30];
	_ =	sdelay $0x2  }
0xd1: {  	v2 =	vbroadcast v4, $0x0;
	_ =	sdelay $0x1  }
0xd2: {  	vm0 =	veq.s32 v4, v2;
	vm1 =	veq.s32 v3, v2  }
0xd3: {  	vm0 =	vmand vm0, vm1  }
0xd4: {  	v3 =	vsel vm0, $0x3F800000, v0  }
0xd5: {  	(xrf0) =	vmin.scan.msk.f32 $0xffff, v3;
	_ =	sdelay $0x5  }
0xd6: {  	v3, _, _ =	vpop (xrf0)  }
0xd7: {  	(v2sf) =	vpush v3, $0xF;
	_ =	sdelay $0xe  }
0xd8: {  	s31 =	spop (v2sf)  }
0xd9: {  	p1 =	sgt.f32 s31, $0.0e+00  }
.Ltmp8:
0xda: {  	_ = 	snop;
	(pc) =	sbr.rel @!p1 .LBB2_12-.Ltmp8, $1  }
0xdb: {  	_ =	sdelay $0x3  }
0xdc: {  	s24 =	simm.s32 $0x0  }
0xdd: {  	s22 =	sand.u32 $0x70, s24;
	s23 =	sand.u32 $0x3C00, s24  }
0xde: {  	s25 =	sor.u32 s22, s23  }
0xdf: {  	v26 =	vld [tilespmem:s25+$0xF200]  }
0xe0: {  	v27 =	vld [tilespmem:s25+$0xF280]  }
0xe1: {  	v29 =	vld [tilespmem:s25+$0xF300]  }
0xe2: {  	v30 =	vld [tilespmem:s25+$0xF380]  }
0xe3: {  	v3 =	vld [tilespmem:s25+$0xF400]  }
0xe4: {  	(v2sf) =	vpush v4, $0x0;
	v4 =	vld [tilespmem:s25+$0xF480]  }
0xe5: {  	v5 =	vld [tilespmem:s25+$0x11A00]  }
0xe6: {  	v7 =	vld [tilespmem:s25+$0x11A80]  }
0xe7: {  	v6 =	vld [tilespmem:s25+$0x11B00]  }
0xe8: {  	v9 =	vld [tilespmem:s25+$0x11B80]  }
0xe9: {  	v10 =	vld [tilespmem:s25+$0x11C00]  }
0xea: {  	v12 =	vld [tilespmem:s25+$0x11C80]  }
0xeb: {  	v8 =	vld [tilespmem:s25+$0x11D00]  }
0xec: {  	v11 =	vld [tilespmem:s25+$0x11D80]  }
0xed: {  	v13 =	vld [tilespmem:s25+$0x14200]  }
0xee: {  	v15 =	vld [tilespmem:s25+$0x14280]  }
0xef: {  	v14 =	vld [tilespmem:s25+$0x14300]  }
0xf0: {  	v16 =	vld [tilespmem:s25+$0x14380]  }
0xf1: {  	v17 =	vld [tilespmem:s25+$0x14400]  }
0xf2: {  	v18 =	vld [tilespmem:s25+$0x14480]  }
0xf3: {  	v19 =	vld [tilespmem:s25+$0x14500]  }
0xf4: {  	v20 =	vld [tilespmem:s25+$0x14580];
	s2 =	spop (v2sf)  }
0xf5: {  	v21 =	vld [tilespmem:s25+$0x16A00];
	s26 =	sshrl.u32 s2, $0x3  }
0xf6: {  	v22 =	vld [tilespmem:s25+$0x16A80];
	s26 =	smul.u32 $0xA000, s26  }
0xf7: {  	v23 =	vld [tilespmem:s25+$0x16B00];
	s2 =	sshll.u32 s2, $0x7  }
0xf8: {  	v24 =	vld [tilespmem:s25+$0x16B80];
	s2 =	sand.u32 $0x380, s2;
	s26 =	sshra.s32 s26, $0x2  }
0xf9: {  	s28 =	simm.s32 $0x10;
	v25 =	vld [tilespmem:s25+$0x16C00];
	s2 =	sor.u32 s2, s26  }
0xfa: {  	s29 =	simm.s32 $0x0;
	s30 =	sand.u32 $0x7, s24;
	v28 =	vld [tilespmem:s25+$0x16C80];
	v26 =	vadd.f32 v27, v26;
	v27 =	vadd.f32 v30, v29;
	s26 =	sadd.s32 $0x180, s2  }
.LBB2_17:
0xfb: {  	p1 =	sne.s32 s28, $0x4F0;
	s2 =	sshll.u32 s30, $0x4;
	v29 =	vld [tilespmem:s25+$0x16D00];
	v30 =	vadd.f32 v4, v3;
	v3 =	vadd.f32 v7, v5  }
0xfc: {  	v5 =	vadd.f32 v9, v6;
	v6 =	vadd.f32 v12, v10;
	s2 =	sadd.s32 s2, s24;
	v4 =	vld [tilespmem:s25+$0x16D80];
	s24 =	sadd.s32 $0x80, s24  }
0xfd: {  	s30 =	sand.u32 $0x70, s28;
	v8 =	vadd.f32 v11, v8;
	v9 =	vadd.f32 v15, v13;
	s31 =	sand.u32 $0x3C00, s24;
	v7 =	vld [tilespmem:s25+$0xF500];
	s2 =	sor.u32 $0x380, s2  }
0xfe: {  	v11 =	vadd.f32 v16, v14;
	v12 =	vadd.f32 v18, v17;
	s25 =	sor.u32 s30, s31;
	v10 =	vld [tilespmem:s2+$0xF200]  }
0xff: {  	v13 =	vadd.f32 v20, v19;
	v14 =	vadd.f32 v22, v21;
	v31 =	vld [tilespmem:s25+$0xF200]  }
0x100: {  	v15 =	vadd.f32 v24, v23;
	v16 =	vadd.f32 v28, v25;
	v32 =	vld [tilespmem:s25+$0xF280]  }
0x101: {  	v18 =	vadd.f32 v27, v26;
	v33 =	vld [tilespmem:s25+$0xF300];
	v17 =	vadd.f32 v4, v29  }
0x102: {  	v19 =	vadd.f32 v5, v3;
	v6 =	vadd.f32 v8, v6;
	v27 =	vld [tilespmem:s25+$0xF380]  }
0x103: {  	v8 =	vadd.f32 v11, v9;
	v3 =	vld [tilespmem:s25+$0xF400];
	v7 =	vadd.f32 v10, v7  }
0x104: {  	v9 =	vadd.f32 v13, v12;
	v10 =	vadd.f32 v15, v14;
	v4 =	vld [tilespmem:s25+$0xF480]  }
0x105: {  	v12 =	vadd.f32 v17, v16;
	v5 =	vld [tilespmem:s25+$0x11A00];
	v11 =	vadd.f32 v7, v30  }
0x106: {  	v13 =	vadd.f32 v6, v19;
	v8 =	vadd.f32 v9, v8;
	v7 =	vld [tilespmem:s25+$0x11A80]  }
0x107: {  	v12 =	vadd.f32 v12, v10;
	v6 =	vld [tilespmem:s25+$0x11B00];
	v11 =	vadd.f32 v11, v18  }
0x108: {  	v9 =	vld [tilespmem:s25+$0x11B80]  }
0x109: {  	v10 =	vld [tilespmem:s25+$0x11C00];
	v11 =	vadd.f32 v13, v11;
	v13 =	vadd.f32 v12, v8  }
0x10a: {  	v12 =	vld [tilespmem:s25+$0x11C80]  }
0x10b: {  	s2 =	sadd.s32 s23, s26;
	s23 =	smov.u32 s31;
	v8 =	vld [tilespmem:s25+$0x11D00];
	v13 =	vadd.f32 v13, v11  }
0x10c: {  	s2 =	sadd.s32 s22, s2;
	s22 =	smov.u32 s30;
	v11 =	vld [tilespmem:s25+$0x11D80]  }
0x10d: {  	[tilespmem:s2+$0x0] =	vst.add.f32.msk $0xffff, v13  }
0x10e: {  	v13 =	vld [tilespmem:s25+$0x14200]  }
0x10f: {  	v15 =	vld [tilespmem:s25+$0x14280]  }
0x110: {  	v14 =	vld [tilespmem:s25+$0x14300]  }
0x111: {  	v16 =	vld [tilespmem:s25+$0x14380]  }
0x112: {  	v17 =	vld [tilespmem:s25+$0x14400]  }
0x113: {  	v18 =	vld [tilespmem:s25+$0x14480]  }
0x114: {  	v19 =	vld [tilespmem:s25+$0x14500]  }
0x115: {  	v20 =	vld [tilespmem:s25+$0x14580]  }
0x116: {  	v21 =	vld [tilespmem:s25+$0x16A00]  }
.Ltmp9:
0x117: {  	v22 =	vld [tilespmem:s25+$0x16A80];
	(pc) =	sbr.rel @p1 .LBB2_17-.Ltmp9, $4  }
0x118: {  	v23 =	vld [tilespmem:s25+$0x16B00]  }
0x119: {  	v24 =	vld [tilespmem:s25+$0x16B80]  }
0x11a: {  	s29 =	sadd.s32 $0x1, s29;
	v25 =	vld [tilespmem:s25+$0x16C00]  }
0x11b: {  	s28 =	sadd.s32 $0x10, s28;
	s30 =	sand.u32 $0x7, s29;
	v26 =	vadd.f32 v32, v31;
	v27 =	vadd.f32 v27, v33;
	v28 =	vld [tilespmem:s25+$0x16C80]  }
0x11c: {  	s2 =	sshll.u32 s30, $0x4;
	v29 =	vld [tilespmem:s25+$0x16D00];
	v3 =	vadd.f32 v4, v3;
	v44 =	vadd.f32 v7, v5  }
0x11d: {  	v45 =	vld [tilespmem:s25+$0x16D80];
	v6 =	vadd.f32 v9, v6;
	v46 =	vadd.f32 v12, v10;
	s2 =	sadd.s32 s2, s24  }
0x11e: {  	v47 =	vld [tilespmem:s25+$0xF500];
	v8 =	vadd.f32 v11, v8;
	v48 =	vadd.f32 v15, v13;
	s2 =	sor.u32 $0x380, s2  }
0x11f: {  	v50 =	vadd.f32 v16, v14;
	v51 =	vadd.f32 v18, v17;
	v49 =	vld [tilespmem:s2+$0xF200]  }
0x120: {  	v52 =	vadd.f32 v20, v19;
	v53 =	vadd.f32 v22, v21  }
0x121: {  	v56 =	vadd.f32 v27, v26;
	v54 =	vadd.f32 v24, v23  }
0x122: {  	v4 =	vadd.f32 v6, v44;
	v57 =	vadd.f32 v8, v46  }
0x123: {  	v59 =	vadd.f32 v50, v48;
	v55 =	vadd.f32 v28, v25  }
0x124: {  	v5 =	vadd.f32 v45, v29;
	v58 =	vadd.f32 v49, v47  }
0x125: {  	v60 =	vadd.f32 v52, v51;
	v61 =	vadd.f32 v54, v53  }
0x126: {  	v5 =	vadd.f32 v5, v55;
	v3 =	vadd.f32 v58, v3  }
0x127: {  	v4 =	vadd.f32 v57, v4;
	v62 =	vadd.f32 v60, v59  }
0x128: {  	v5 =	vadd.f32 v5, v61;
	v3 =	vadd.f32 v3, v56;
	_ =	sdelay $0x1  }
0x129: {  	v63 =	vadd.f32 v5, v62;
	v3 =	vadd.f32 v4, v3;
	_ =	sdelay $0x1  }
0x12a: {  	s31 =	sadd.s32 s23, s26;
	v3 =	vadd.f32 v63, v3  }
0x12b: {  	s2 =	sadd.s32 s22, s31  }
0x12c: {  	[tilespmem:s2+$0x0] =	vst.add.f32.msk $0xffff, v3  }
0x12d: {  	v3 =	vld [tilespmem:$0x5180];
	_ =	sdelay $0x2  }
.Ltmp10:
0x12e: {  	vm0 =	veq.s32 v2, v1;
	(pc) =	sbr.rel .LBB2_19-.Ltmp10, $3  }
0x12f: {  	v2 =	vsel vm0, $0x42000000, v0  }
0x130: {  	v2 =	vadd.f32 v3, v2;
	_ =	sdelay $0x1  }
0x131: {  	[tilespmem:$0x5180] =	vst v2  }
.LBB2_12:
0x132: {  	s2 =	sadd.s32 $0x20, s21  }
0x133: {  	s22 =	simm.s32 $0x0;
	s23 =	simm.s32 $0x0;
	v2 =	vmov s2  }
.LBB2_13:
0x134: {  	_ =	sdelay $0x3  }
0x135: {  	v3 =	vld.idx.msk [tilespmem:v2+s23+$0x0 ss:$0x1], $0xffff;
	_ =	sdelay $0x4  }
0x136: {  	(v2sf) =	vpush v3, $0x0;
	_ =	sdelay $0xb  }
0x137: {  	s2 =	sshrl.u32 s23, $0x3  }
0x138: {  	s2 =	smul.u32 $0xA000, s2  }
0x139: {  	s25 =	sshll.u32 s23, $0x7  }
0x13a: {  	s25 =	sand.u32 $0x380, s25;
	s2 =	sshra.s32 s2, $0x2;
	s24 =	spop (v2sf)  }
0x13b: {  	s28 =	sand.u32 $0x3C00, s22;
	s2 =	sor.u32 s25, s2;
	s26 =	sshrl.u32 s24, $0x3  }
0x13c: {  	s0 =	sshll.u32 s24, $0x7;
	s24 =	sadd.s32 $0xF200, s2;
	s26 =	smul.u32 $0xA000, s26  }
0x13d: {  	s25 =	sand.u32 $0x70, s22;
	s29 =	sadd.s32 s28, s24  }
0x13e: {  	s31 =	sand.u32 $0x380, s0;
	s30 =	sadd.s32 s25, s29;
	s26 =	sshra.s32 s26, $0x2  }
0x13f: {  	v4 =	vld [tilespmem:s30+$0x0];
	s2 =	sor.u32 s31, s26  }
0x140: {  	s29 =	simm.s32 $0x10;
	s30 =	simm.s32 $0x80;
	s26 =	sadd.s32 $0x180, s2  }
.LBB2_14:
0x141: {  	s2 =	sand.u32 $0x3C00, s30;
	s31 =	smov.u32 s29;
	p1 =	sne.s32 s29, $0x4F0  }
.Ltmp11:
0x142: {  	s29 =	sadd.s32 $0x10, s29;
	s28 =	sadd.s32 s28, s26;
	(pc) =	sbr.rel @p1 .LBB2_14-.Ltmp11, $4  }
0x143: {  	s0 =	sadd.s32 s2, s24;
	s28 =	sadd.s32 s25, s28;
	s25 =	sand.u32 $0x70, s31  }
0x144: {  	s0 =	sadd.s32 s25, s0;
	[tilespmem:s28+$0x0] =	vst.add.f32.msk $0xffff, v4;
	s28 =	smov.u32 s2  }
0x145: {  	v4 =	vld [tilespmem:s0+$0x0]  }
0x146: {  	s30 =	sadd.s32 $0x80, s30  }
0x147: {  	_ = 	snop  }
0x148: {  	s0 =	sadd.s32 s28, s26  }
0x149: {  	s0 =	sadd.s32 s25, s0  }
0x14a: {  	[tilespmem:s0+$0x0] =	vst.add.f32.msk $0xffff, v4  }
0x14b: {  	v4 =	vld [tilespmem:$0x5180]  }
0x14c: {  	v3 =	vbroadcast v3, $0x0;
	s23 =	sadd.s32 $0x1, s23  }
0x14d: {  	p1 =	sne.s32 s23, $0x20  }
.Ltmp12:
0x14e: {  	vm0 =	veq.s32 v3, v1;
	(pc) =	sbr.rel @p1 .LBB2_13-.Ltmp12, $3  }
0x14f: {  	v3 =	vsel vm0, $0x3F800000, v0  }
0x150: {  	v3 =	vadd.f32 v4, v3;
	_ =	sdelay $0x1  }
0x151: {  	[tilespmem:$0x5180] =	vst v3  }
.LBB2_19:
.Ltmp13:
0x152: {  	(pc) =	sbr.rel @p0 .LBB2_21-.Ltmp13, $1  }
0x153: {  	_ =	sdelay $0x3  }
0x154: {  	s0 =	sadd.s32 s21, s8  }
.Ltmp14:
0x155: {  	s0 =	sshrl.u32 s0, $0x3;
	(pc) =	sbr.rel .LBB2_4-.Ltmp14, $3  }
0x156: {  	s0 =	smul.u32 $0x500, s0;
	_ =	sdelay $0x1  }
0x157: {  	s20 =	sadd.s32 $0x1, s20;
	s0 =	sadd.s32 s1, s0  }
0x158: {  	[tilespmem:s13], [sflag:$0x2] =	stream.linear.gather [hbm4b:s0+s3], $0xA000, $0x38;
	[tilespmem:$0x19200] =	vst v63  }
.LBB2_22:
0x159: {  	_ =	sfence.sel $0x180000  }
0x15a: {  	[bflag:$0x0] =	sbarrier.arrive $0xFFFF  }
0x15b: {  	_ =	strace $0x90000047  }
0x15c: {  	s0 =	stileid.u32;
	[bflag:$0x2] =	sbarrier.arrive $0xFFFF  }
0x15d: {  	p0 =	sne.s32 s0, $0x0;
	s0 =	rddreg [dreg:$0x3]  }
0x15e: {  	s0 =	sadd.s32 @!p0 $0x100000, s0  }
0x15f: {  	[sflag:s0] =	ssyncadd.tile.s32 @!p0 $0x1;
	_ =	shalt  }
.Lfunc_end2:
_tile_overlayer_lowered:
.L_overlay_start_2:
0x160: {  	(tag) =	ssettag $0x2  }
0x161: {  	s0 =	rddreg [dreg:$0x0];
	s2 =	stileid.u32  }
0x162: {  	s1 =	rddreg [dreg:$0x1];
	p0 =	sne.s32 s2, $0x0  }
0x163: {  	s3 =	rddreg [dreg:$0x2];
	[bflag:$0x3] =	sbarrier.arrive $0xFFFF;
	s2 =	simm.s32 @!p0 $0x1C03  }
0x164: {  	[timem:s3], [sflag:s2] =	dma.local @!p0 [hbm:s0], s1  }
0x165: {  	s0 =	simm.s32 @!p0 $0x3  }
0x166: {  	_ =	swait.ge @!p0 [sflag:s0], s1  }
0x167: {  	s1 =	ssub.s32 @!p0 $0x0, s1;
	[sflag:s0] =	ssyncset.done @!p0 $0x0  }
0x168: {  	[sflag:s0] =	ssyncadd.s32 @!p0 s1  }
0x169: {  	[bflag:$0x3] =	sbarrier.arrive $0xFFFF  }
0x16a: {  	_ =	shalt  }

</sc_bundles>
